<compile_context>
chip_gen: v7x
topology: tpu7x:2x2x1
jax: 0.10.2.dev20260603
libtpu: 0.0.44.dev20260713+nightly
codegen_flags: <defaults>
</compile_context>

<pallas_src>
import jax
import jax.numpy as jnp
from jax import lax
from jax.experimental import pallas as pl
from jax.experimental.pallas import tpu as pltpu
from jax.experimental.pallas import tpu_sc as plsc

_B, _N, _M = 128, 20000, 100
_NW = 32
_BPW = _B // _NW
_HB = 4096
_CAP = 256
_IMIN_PY = -(2 ** 31)
_UF = 5


def _scalar(v):
    return lax.squeeze(lax.slice(v, (0,), (1,)), (0,))


def _sc_body(preds_hbm, tgts_hbm, out_hbm, pred_v, key_v, hist_v,
             ckey_v, cidx_v, tgt_v, loss_v):
    _IMIN = jnp.int32(_IMIN_PY)
    lanes = lax.iota(jnp.int32, 16)
    ones_i = jnp.ones((16,), jnp.int32)
    zeros_i = jnp.zeros((16,), jnp.int32)
    imin_v = jnp.full((16,), _IMIN)
    wid = lax.axis_index("s") * 2 + lax.axis_index("c")

    def per_batch(j, acc_vec):
        bb = wid * _BPW + j
        pltpu.sync_copy(preds_hbm.at[bb], pred_v)
        pltpu.sync_copy(tgts_hbm.at[bb], tgt_v)

        def clr_h(i, _):
            for u in range(4):
                hist_v[pl.ds((i * 4 + u) * 16, 16)] = zeros_i
            return 0
        lax.fori_loop(0, _HB // 64, clr_h, 0)

        for c in range(_CAP // 16):
            ckey_v[pl.ds(c * 16, 16)] = imin_v

        def hist_pass(i, _):
            for u in range(_UF):
                i2 = i * _UF + u
                rows = i2 * 16 + lanes
                conf = plsc.load_gather(pred_v, [rows * 5 + 4])
                bits = plsc.bitcast(conf, jnp.int32)
                key = bits ^ ((bits >> 31) & jnp.int32(0x7FFFFFFF))
                key_v[pl.ds(i2 * 16, 16)] = key
                bucket = (key >> 20) + 2048
                plsc.addupdate_scatter(hist_v, [bucket], ones_i)
            return 0
        lax.fori_loop(0, _N // (16 * _UF), hist_pass, 0)

        def scan_pass(i, carry):
            before, bch, beforeh, found = carry
            for u in range(4):
                base = _HB - (i * 4 + u + 1) * 16
                chunk = hist_v[pl.ds(base, 16)]
                s = jnp.sum(chunk)
                crossing = jnp.logical_and(jnp.logical_not(found),
                                           (before + s) >= _M)
                bch = jnp.where(crossing, base, bch)
                beforeh = jnp.where(crossing, before, beforeh)
                found = jnp.logical_or(found, crossing)
                before = before + s
            return before, bch, beforeh, found
        _, bch, beforeh, _ = lax.fori_loop(
            0, _HB // 64, scan_pass,
            (jnp.int32(0), jnp.int32(0), jnp.int32(0), jnp.bool_(False)))
        wchunk = hist_v[pl.ds(bch, 16)]
        csum = plsc.cumsum(lax.rev(wchunk, (0,)))
        jlane = _scalar(plsc.all_reduce_ffs((beforeh + csum) >= _M))
        thr = bch + 15 - jlane

        def compress_pass(i, off):
            for u in range(_UF):
                i2 = i * _UF + u
                key = key_v[pl.ds(i2 * 16, 16)]
                mask = ((key >> 20) + 2048) >= thr
                offc = jnp.minimum(off, _CAP - 16)
                plsc.store_compressed(ckey_v.at[pl.ds(offc, 16)], key, mask=mask)
                plsc.store_compressed(cidx_v.at[pl.ds(offc, 16)],
                                      i2 * 16 + lanes, mask=mask)
                off = off + _scalar(plsc.all_reduce_population_count(mask))
            return off
        lax.fori_loop(0, _N // (16 * _UF), compress_pass, jnp.int32(0))

        cmv = imin_v
        for c in range(_CAP // 16):
            cm = jnp.max(ckey_v[pl.ds(c * 16, 16)])
            cmv = jnp.where(lanes == c, cm, cmv)

        mask4 = lanes < 4
        colsc = jnp.minimum(lanes, 4)
        tcol = jnp.minimum(lanes, 3)

        def extract(r, carry):
            acc, cmv = carry
            m = jnp.max(cmv)
            bc = _scalar(plsc.all_reduce_ffs(cmv == m))
            wchunk = ckey_v[pl.ds(bc * 16, 16)]
            lane = _scalar(plsc.all_reduce_ffs(wchunk == m))
            p = bc * 16 + lane
            pvec = jnp.full((16,), p)
            cidx = plsc.load_gather(cidx_v, [pvec])
            box = plsc.load_gather(pred_v, [cidx * 5 + colsc])
            tgt = plsc.load_gather(tgt_v, [r * 4 + tcol])
            d = box - tgt
            acc = acc + jnp.sum(jnp.where(mask4, d * d, jnp.float32(0.0)))
            nchunk = jnp.where(lanes == lane, imin_v, wchunk)
            ckey_v[pl.ds(bc * 16, 16)] = nchunk
            cmv = jnp.where(lanes == bc, jnp.max(nchunk), cmv)
            return acc, cmv
        acc, _ = lax.fori_loop(0, _M, extract, (jnp.float32(0.0), cmv))

        return jnp.where(lanes == j, acc, acc_vec)

    acc_vec = lax.fori_loop(0, _BPW, per_batch, jnp.zeros((16,), jnp.float32))
    loss_v[...] = acc_vec
    pltpu.sync_copy(loss_v, out_hbm.at[wid])


def kernel(preds, targets):
    b = preds.shape[0]
    mesh = plsc.VectorSubcoreMesh(core_axis_name="c", subcore_axis_name="s")
    sc_call = pl.kernel(
        _sc_body,
        mesh=mesh,
        compiler_params=pltpu.CompilerParams(needs_layout_passes=False, use_tc_tiling_on_sc=True),
        out_type=jax.ShapeDtypeStruct((_NW, 16), jnp.float32),
        scratch_types=[
            pltpu.VMEM((_N * 5,), jnp.float32),
            pltpu.VMEM((_N,), jnp.int32),
            pltpu.VMEM((_HB,), jnp.int32),
            pltpu.VMEM((_CAP,), jnp.int32),
            pltpu.VMEM((_CAP,), jnp.int32),
            pltpu.VMEM((_M * 4,), jnp.float32),
            pltpu.VMEM((16,), jnp.float32),
        ],
    )
    out = sc_call(preds.reshape(b, _N * 5), targets.reshape(b, _M * 4))
    return jnp.sum(out) / (b * _M * 4)

# --- scband reference (transcript-rebuilt; emitter-appended) ---
"""Pipeline reference for scband-detection-loss-52166672777643 (READ-ONLY COPY).

The authoritative reference and input builder live on the scoring server;
editing this copy changes nothing except your own understanding.
"""

import jax, jax.numpy as jnp
import numpy as np


def setup_inputs(seed: int = 0) -> dict:
    key = jax.random.key(seed)
    k1, k2 = jax.random.split(key)
    preds = jax.random.normal(k1, (128, 20000, 5), dtype=jnp.float32)
    targets = jax.random.normal(k2, (128, 100, 4), dtype=jnp.float32)
    return {"preds": preds, "targets": targets}


def reference(preds, targets):
    # Faithful translation of DetectionLoss.forward.
    # Iterating a torch tensor yields slices along dim 0; zip(preds, targets)
    # pairs per-image predictions with per-image targets. target.shape[0] is
    # static (M=100 > 0), so the empty-target skip branch never triggers.
    M = targets.shape[1]

    def per_sample(pred, target):
        pred_boxes = pred[:, :4]
        pred_conf = pred[:, 4]
        # torch.argsort(pred_conf, descending=True)[:M]
        conf_sorted_idx = jnp.argsort(-pred_conf)[:M]
        selected_preds = pred_boxes[conf_sorted_idx]
        # F.mse_loss default reduction='mean'
        return jnp.mean((selected_preds - target) ** 2)

    losses = jax.vmap(per_sample)(preds, targets)
    total_loss = jnp.sum(losses)
    return total_loss / preds.shape[0]

if __name__ == "__main__":
    import jax
    _d = setup_inputs()
    print(jax.jit(kernel)(*tuple(_d.values())))

</pallas_src>

<mosaic_0001>
#map = affine_map<(d0, d1) -> (0, 0)>
module attributes {stable_mosaic.version = 14 : i64} {
  func.func @_sc_body(%arg0: i32, %arg1: i32, %arg2: memref<128x100000xf32, #tpu.memory_space<hbm>>, %arg3: memref<128x400xf32, #tpu.memory_space<hbm>>, %arg4: memref<32x16xf32, #tpu.memory_space<hbm>>, %arg5: memref<100000xf32, #tpu.memory_space<vmem>>, %arg6: memref<20000xi32, #tpu.memory_space<vmem>>, %arg7: memref<4096xi32, #tpu.memory_space<vmem>>, %arg8: memref<256xi32, #tpu.memory_space<vmem>>, %arg9: memref<256xi32, #tpu.memory_space<vmem>>, %arg10: memref<400xf32, #tpu.memory_space<vmem>>, %arg11: memref<16xf32, #tpu.memory_space<vmem>>) attributes {dimension_semantics = [#tpu.dimension_semantics<core_parallel>, #tpu.dimension_semantics<subcore_parallel>], iteration_bounds = array<i64: 2, 16>, scalar_prefetch = 0 : i64, scratch_operands = 7 : i64, tpu.core_type = #tpu.core_type<sc_vector_subcore>, window_params = [{transform_indices = #map}, {transform_indices = #map}, {transform_indices = #map}]} {
    %iota3A = tpu.iota {dimensions = array<i32: 0>} : vector<16xi32>
    %broadcast_in_dim3A = arith.constant 1 : i32
    %broadcast_in_dim3A_0 = vector.broadcast %broadcast_in_dim3A : i32 to vector<16xi32>
    %broadcast_in_dim3A_1 = arith.constant 0 : i32
    %broadcast_in_dim3A_2 = vector.broadcast %broadcast_in_dim3A_1 : i32 to vector<16xi32>
    %broadcast_in_dim3A_3 = arith.constant -2147483648 : i32
    %broadcast_in_dim3A_4 = vector.broadcast %broadcast_in_dim3A_3 : i32 to vector<16xi32>
    %mul3A = arith.constant 2 : i32
    %mul3A_5 = arith.muli %arg1, %mul3A : i32
    %add3A = arith.addi %mul3A_5, %arg0 : i32
    %broadcast_in_dim3A_6 = arith.constant 0.000000e+00 : f32
    %broadcast_in_dim3A_7 = vector.broadcast %broadcast_in_dim3A_6 : f32 to vector<16xf32>
    %scan3A = arith.constant 0 : i32
    %scan3A_8 = arith.constant 4 : i32
    %scan3A_9 = arith.addi %scan3A, %scan3A_8 : i32
    %scan3A_10 = arith.constant 1 : i32
    %scan3A_11 = scf.for %scan3A_14 = %scan3A to %scan3A_9 step %scan3A_10 iter_args(%scan3A_15 = %broadcast_in_dim3A_7) -> (vector<16xf32>)  : i32 {
      %mul3A_16 = arith.constant 4 : i32
      %mul3A_17 = arith.muli %add3A, %mul3A_16 : i32
      %add3A_18 = arith.addi %mul3A_17, %scan3A_14 : i32
      "tpu.region"() ({
        %run_scoped3A = tpu.sem_alloc : memref<!tpu.dma_semaphore, #tpu.memory_space<semaphore_mem>>
        %dma_start3A = arith.constant 0 : i32
        %dma_start3A_350 = tpu.memref_slice %arg2[%add3A_18, %dma_start3A] : memref<128x100000xf32, #tpu.memory_space<hbm>> -> memref<1x100000xf32, #tpu.memory_space<hbm>>
        %dma_start3A_351 = tpu.memref_squeeze %dma_start3A_350 : memref<1x100000xf32, #tpu.memory_space<hbm>> -> memref<100000xf32, #tpu.memory_space<hbm>>
        %dma_start3A_352 = arith.constant 0 : i32
        %dma_start3A_353 = tpu.memref_slice %arg2[%add3A_18, %dma_start3A_352] : memref<128x100000xf32, #tpu.memory_space<hbm>> -> memref<1x100000xf32, #tpu.memory_space<hbm>>
        %dma_start3A_354 = tpu.memref_squeeze %dma_start3A_353 : memref<1x100000xf32, #tpu.memory_space<hbm>> -> memref<100000xf32, #tpu.memory_space<hbm>>
        tpu.enqueue_dma source(%dma_start3A_354 : memref<100000xf32, #tpu.memory_space<hbm>>) target(%arg5 : memref<100000xf32, #tpu.memory_space<vmem>>) target_semaphore(%run_scoped3A : memref<!tpu.dma_semaphore, #tpu.memory_space<semaphore_mem>>)
        %dma_wait3A = arith.constant 0 : i32
        %dma_wait3A_355 = tpu.memref_slice %arg2[%add3A_18, %dma_wait3A] : memref<128x100000xf32, #tpu.memory_space<hbm>> -> memref<1x100000xf32, #tpu.memory_space<hbm>>
        %dma_wait3A_356 = tpu.memref_squeeze %dma_wait3A_355 : memref<1x100000xf32, #tpu.memory_space<hbm>> -> memref<100000xf32, #tpu.memory_space<hbm>>
        %dma_wait3A_357 = arith.constant 0 : i32
        %dma_wait3A_358 = tpu.memref_slice %arg2[%add3A_18, %dma_wait3A_357] : memref<128x100000xf32, #tpu.memory_space<hbm>> -> memref<1x100000xf32, #tpu.memory_space<hbm>>
        %dma_wait3A_359 = tpu.memref_squeeze %dma_wait3A_358 : memref<1x100000xf32, #tpu.memory_space<hbm>> -> memref<100000xf32, #tpu.memory_space<hbm>>
        tpu.wait_dma2 semaphore(%run_scoped3A : memref<!tpu.dma_semaphore, #tpu.memory_space<semaphore_mem>>) src(%dma_wait3A_359 : memref<100000xf32, #tpu.memory_space<hbm>>) dst(%arg5 : memref<100000xf32, #tpu.memory_space<vmem>>)
        tpu.yield
      }) : () -> ()
      "tpu.region"() ({
        %run_scoped3A = tpu.sem_alloc : memref<!tpu.dma_semaphore, #tpu.memory_space<semaphore_mem>>
        %dma_start3A = arith.constant 0 : i32
        %dma_start3A_350 = tpu.memref_slice %arg3[%add3A_18, %dma_start3A] : memref<128x400xf32, #tpu.memory_space<hbm>> -> memref<1x400xf32, #tpu.memory_space<hbm>>
        %dma_start3A_351 = tpu.memref_squeeze %dma_start3A_350 : memref<1x400xf32, #tpu.memory_space<hbm>> -> memref<400xf32, #tpu.memory_space<hbm>>
        %dma_start3A_352 = arith.constant 0 : i32
        %dma_start3A_353 = tpu.memref_slice %arg3[%add3A_18, %dma_start3A_352] : memref<128x400xf32, #tpu.memory_space<hbm>> -> memref<1x400xf32, #tpu.memory_space<hbm>>
        %dma_start3A_354 = tpu.memref_squeeze %dma_start3A_353 : memref<1x400xf32, #tpu.memory_space<hbm>> -> memref<400xf32, #tpu.memory_space<hbm>>
        tpu.enqueue_dma source(%dma_start3A_354 : memref<400xf32, #tpu.memory_space<hbm>>) target(%arg10 : memref<400xf32, #tpu.memory_space<vmem>>) target_semaphore(%run_scoped3A : memref<!tpu.dma_semaphore, #tpu.memory_space<semaphore_mem>>)
        %dma_wait3A = arith.constant 0 : i32
        %dma_wait3A_355 = tpu.memref_slice %arg3[%add3A_18, %dma_wait3A] : memref<128x400xf32, #tpu.memory_space<hbm>> -> memref<1x400xf32, #tpu.memory_space<hbm>>
        %dma_wait3A_356 = tpu.memref_squeeze %dma_wait3A_355 : memref<1x400xf32, #tpu.memory_space<hbm>> -> memref<400xf32, #tpu.memory_space<hbm>>
        %dma_wait3A_357 = arith.constant 0 : i32
        %dma_wait3A_358 = tpu.memref_slice %arg3[%add3A_18, %dma_wait3A_357] : memref<128x400xf32, #tpu.memory_space<hbm>> -> memref<1x400xf32, #tpu.memory_space<hbm>>
        %dma_wait3A_359 = tpu.memref_squeeze %dma_wait3A_358 : memref<1x400xf32, #tpu.memory_space<hbm>> -> memref<400xf32, #tpu.memory_space<hbm>>
        tpu.wait_dma2 semaphore(%run_scoped3A : memref<!tpu.dma_semaphore, #tpu.memory_space<semaphore_mem>>) src(%dma_wait3A_359 : memref<400xf32, #tpu.memory_space<hbm>>) dst(%arg10 : memref<400xf32, #tpu.memory_space<vmem>>)
        tpu.yield
      }) : () -> ()
      %scan3A_19 = arith.constant 0 : i32
      %scan3A_20 = arith.constant 0 : i32
      %scan3A_21 = arith.constant 64 : i32
      %scan3A_22 = arith.addi %scan3A_20, %scan3A_21 : i32
      %scan3A_23 = arith.constant 1 : i32
      %scan3A_24 = scf.for %scan3A_350 = %scan3A_20 to %scan3A_22 step %scan3A_23 iter_args(%scan3A_351 = %scan3A_19) -> (i32)  : i32 {
        %mul3A_352 = arith.constant 4 : i32
        %mul3A_353 = arith.muli %scan3A_350, %mul3A_352 : i32
        %add3A_354 = arith.constant 0 : i32
        %add3A_355 = arith.addi %mul3A_353, %add3A_354 : i32
        %mul3A_356 = arith.constant 16 : i32
        %mul3A_357 = arith.muli %add3A_355, %mul3A_356 : i32
        %swap3A_358 = arith.index_cast %mul3A_357 : i32 to index
        %swap3A_359 = tpu.vector_load %arg7[%swap3A_358] {strides = array<i32>} : memref<4096xi32, #tpu.memory_space<vmem>>, vector<16xi32>,
        tpu.vector_store %arg7[%swap3A_358], %broadcast_in_dim3A_2 {strides = array<i32>} : memref<4096xi32, #tpu.memory_space<vmem>>, vector<16xi32>,
        %mul3A_360 = arith.constant 4 : i32
        %mul3A_361 = arith.muli %scan3A_350, %mul3A_360 : i32
        %add3A_362 = arith.constant 1 : i32
        %add3A_363 = arith.addi %mul3A_361, %add3A_362 : i32
        %mul3A_364 = arith.constant 16 : i32
        %mul3A_365 = arith.muli %add3A_363, %mul3A_364 : i32
        %swap3A_366 = arith.index_cast %mul3A_365 : i32 to index
        %swap3A_367 = tpu.vector_load %arg7[%swap3A_366] {strides = array<i32>} : memref<4096xi32, #tpu.memory_space<vmem>>, vector<16xi32>,
        tpu.vector_store %arg7[%swap3A_366], %broadcast_in_dim3A_2 {strides = array<i32>} : memref<4096xi32, #tpu.memory_space<vmem>>, vector<16xi32>,
        %mul3A_368 = arith.constant 4 : i32
        %mul3A_369 = arith.muli %scan3A_350, %mul3A_368 : i32
        %add3A_370 = arith.constant 2 : i32
        %add3A_371 = arith.addi %mul3A_369, %add3A_370 : i32
        %mul3A_372 = arith.constant 16 : i32
        %mul3A_373 = arith.muli %add3A_371, %mul3A_372 : i32
        %swap3A_374 = arith.index_cast %mul3A_373 : i32 to index
        %swap3A_375 = tpu.vector_load %arg7[%swap3A_374] {strides = array<i32>} : memref<4096xi32, #tpu.memory_space<vmem>>, vector<16xi32>,
        tpu.vector_store %arg7[%swap3A_374], %broadcast_in_dim3A_2 {strides = array<i32>} : memref<4096xi32, #tpu.memory_space<vmem>>, vector<16xi32>,
        %mul3A_376 = arith.constant 4 : i32
        %mul3A_377 = arith.muli %scan3A_350, %mul3A_376 : i32
        %add3A_378 = arith.constant 3 : i32
        %add3A_379 = arith.addi %mul3A_377, %add3A_378 : i32
        %mul3A_380 = arith.constant 16 : i32
        %mul3A_381 = arith.muli %add3A_379, %mul3A_380 : i32
        %swap3A_382 = arith.index_cast %mul3A_381 : i32 to index
        %swap3A_383 = tpu.vector_load %arg7[%swap3A_382] {strides = array<i32>} : memref<4096xi32, #tpu.memory_space<vmem>>, vector<16xi32>,
        tpu.vector_store %arg7[%swap3A_382], %broadcast_in_dim3A_2 {strides = array<i32>} : memref<4096xi32, #tpu.memory_space<vmem>>, vector<16xi32>,
        %scan3A_384 = arith.constant 0 : i32
        scf.yield %scan3A_384 : i32
      }
      %scan3A_25 = arith.constant 64 : i32
      %swap3A_26 = arith.constant 0 : index
      %swap3A_27 = tpu.vector_load %arg8[%swap3A_26] {strides = array<i32>} : memref<256xi32, #tpu.memory_space<vmem>>, vector<16xi32>,
      tpu.vector_store %arg8[%swap3A_26], %broadcast_in_dim3A_4 {strides = array<i32>} : memref<256xi32, #tpu.memory_space<vmem>>, vector<16xi32>,
      %swap3A_28 = arith.constant 16 : index
      %swap3A_29 = tpu.vector_load %arg8[%swap3A_28] {strides = array<i32>} : memref<256xi32, #tpu.memory_space<vmem>>, vector<16xi32>,
      tpu.vector_store %arg8[%swap3A_28], %broadcast_in_dim3A_4 {strides = array<i32>} : memref<256xi32, #tpu.memory_space<vmem>>, vector<16xi32>,
      %swap3A_30 = arith.constant 32 : index
      %swap3A_31 = tpu.vector_load %arg8[%swap3A_30] {strides = array<i32>} : memref<256xi32, #tpu.memory_space<vmem>>, vector<16xi32>,
      tpu.vector_store %arg8[%swap3A_30], %broadcast_in_dim3A_4 {strides = array<i32>} : memref<256xi32, #tpu.memory_space<vmem>>, vector<16xi32>,
      %swap3A_32 = arith.constant 48 : index
      %swap3A_33 = tpu.vector_load %arg8[%swap3A_32] {strides = array<i32>} : memref<256xi32, #tpu.memory_space<vmem>>, vector<16xi32>,
      tpu.vector_store %arg8[%swap3A_32], %broadcast_in_dim3A_4 {strides = array<i32>} : memref<256xi32, #tpu.memory_space<vmem>>, vector<16xi32>,
      %swap3A_34 = arith.constant 64 : index
      %swap3A_35 = tpu.vector_load %arg8[%swap3A_34] {strides = array<i32>} : memref<256xi32, #tpu.memory_space<vmem>>, vector<16xi32>,
      tpu.vector_store %arg8[%swap3A_34], %broadcast_in_dim3A_4 {strides = array<i32>} : memref<256xi32, #tpu.memory_space<vmem>>, vector<16xi32>,
      %swap3A_36 = arith.constant 80 : index
      %swap3A_37 = tpu.vector_load %arg8[%swap3A_36] {strides = array<i32>} : memref<256xi32, #tpu.memory_space<vmem>>, vector<16xi32>,
      tpu.vector_store %arg8[%swap3A_36], %broadcast_in_dim3A_4 {strides = array<i32>} : memref<256xi32, #tpu.memory_space<vmem>>, vector<16xi32>,
      %swap3A_38 = arith.constant 96 : index
      %swap3A_39 = tpu.vector_load %arg8[%swap3A_38] {strides = array<i32>} : memref<256xi32, #tpu.memory_space<vmem>>, vector<16xi32>,
      tpu.vector_store %arg8[%swap3A_38], %broadcast_in_dim3A_4 {strides = array<i32>} : memref<256xi32, #tpu.memory_space<vmem>>, vector<16xi32>,
      %swap3A_40 = arith.constant 112 : index
      %swap3A_41 = tpu.vector_load %arg8[%swap3A_40] {strides = array<i32>} : memref<256xi32, #tpu.memory_space<vmem>>, vector<16xi32>,
      tpu.vector_store %arg8[%swap3A_40], %broadcast_in_dim3A_4 {strides = array<i32>} : memref<256xi32, #tpu.memory_space<vmem>>, vector<16xi32>,
      %swap3A_42 = arith.constant 128 : index
      %swap3A_43 = tpu.vector_load %arg8[%swap3A_42] {strides = array<i32>} : memref<256xi32, #tpu.memory_space<vmem>>, vector<16xi32>,
      tpu.vector_store %arg8[%swap3A_42], %broadcast_in_dim3A_4 {strides = array<i32>} : memref<256xi32, #tpu.memory_space<vmem>>, vector<16xi32>,
      %swap3A_44 = arith.constant 144 : index
      %swap3A_45 = tpu.vector_load %arg8[%swap3A_44] {strides = array<i32>} : memref<256xi32, #tpu.memory_space<vmem>>, vector<16xi32>,
      tpu.vector_store %arg8[%swap3A_44], %broadcast_in_dim3A_4 {strides = array<i32>} : memref<256xi32, #tpu.memory_space<vmem>>, vector<16xi32>,
      %swap3A_46 = arith.constant 160 : index
      %swap3A_47 = tpu.vector_load %arg8[%swap3A_46] {strides = array<i32>} : memref<256xi32, #tpu.memory_space<vmem>>, vector<16xi32>,
      tpu.vector_store %arg8[%swap3A_46], %broadcast_in_dim3A_4 {strides = array<i32>} : memref<256xi32, #tpu.memory_space<vmem>>, vector<16xi32>,
      %swap3A_48 = arith.constant 176 : index
      %swap3A_49 = tpu.vector_load %arg8[%swap3A_48] {strides = array<i32>} : memref<256xi32, #tpu.memory_space<vmem>>, vector<16xi32>,
      tpu.vector_store %arg8[%swap3A_48], %broadcast_in_dim3A_4 {strides = array<i32>} : memref<256xi32, #tpu.memory_space<vmem>>, vector<16xi32>,
      %swap3A_50 = arith.constant 192 : index
      %swap3A_51 = tpu.vector_load %arg8[%swap3A_50] {strides = array<i32>} : memref<256xi32, #tpu.memory_space<vmem>>, vector<16xi32>,
      tpu.vector_store %arg8[%swap3A_50], %broadcast_in_dim3A_4 {strides = array<i32>} : memref<256xi32, #tpu.memory_space<vmem>>, vector<16xi32>,
      %swap3A_52 = arith.constant 208 : index
      %swap3A_53 = tpu.vector_load %arg8[%swap3A_52] {strides = array<i32>} : memref<256xi32, #tpu.memory_space<vmem>>, vector<16xi32>,
      tpu.vector_store %arg8[%swap3A_52], %broadcast_in_dim3A_4 {strides = array<i32>} : memref<256xi32, #tpu.memory_space<vmem>>, vector<16xi32>,
      %swap3A_54 = arith.constant 224 : index
      %swap3A_55 = tpu.vector_load %arg8[%swap3A_54] {strides = array<i32>} : memref<256xi32, #tpu.memory_space<vmem>>, vector<16xi32>,
      tpu.vector_store %arg8[%swap3A_54], %broadcast_in_dim3A_4 {strides = array<i32>} : memref<256xi32, #tpu.memory_space<vmem>>, vector<16xi32>,
      %swap3A_56 = arith.constant 240 : index
      %swap3A_57 = tpu.vector_load %arg8[%swap3A_56] {strides = array<i32>} : memref<256xi32, #tpu.memory_space<vmem>>, vector<16xi32>,
      tpu.vector_store %arg8[%swap3A_56], %broadcast_in_dim3A_4 {strides = array<i32>} : memref<256xi32, #tpu.memory_space<vmem>>, vector<16xi32>,
      %scan3A_58 = arith.constant 0 : i32
      %scan3A_59 = arith.constant 0 : i32
      %scan3A_60 = arith.constant 250 : i32
      %scan3A_61 = arith.addi %scan3A_59, %scan3A_60 : i32
      %scan3A_62 = arith.constant 1 : i32
      %scan3A_63 = scf.for %scan3A_350 = %scan3A_59 to %scan3A_61 step %scan3A_62 iter_args(%scan3A_351 = %scan3A_58) -> (i32)  : i32 {
        %mul3A_352 = arith.constant 5 : i32
        %mul3A_353 = arith.muli %scan3A_350, %mul3A_352 : i32
        %add3A_354 = arith.constant 0 : i32
        %add3A_355 = arith.addi %mul3A_353, %add3A_354 : i32
        %mul3A_356 = arith.constant 16 : i32
        %mul3A_357 = arith.muli %add3A_355, %mul3A_356 : i32
        %add3A_358 = vector.broadcast %mul3A_357 : i32 to vector<16xi32>
        %add3A_359 = arith.addi %add3A_358, %iota3A : vector<16xi32>
        %mul3A_360 = arith.constant 5 : i32
        %mul3A_361 = vector.broadcast %mul3A_360 : i32 to vector<16xi32>
        %mul3A_362 = arith.muli %add3A_359, %mul3A_361 : vector<16xi32>
        %add3A_363 = arith.constant 4 : i32
        %add3A_364 = vector.broadcast %add3A_363 : i32 to vector<16xi32>
        %add3A_365 = arith.addi %mul3A_362, %add3A_364 : vector<16xi32>
        %gather3A = tpu.vector_load_idx %arg5[%add3A_365] : memref<100000xf32, #tpu.memory_space<vmem>>[vector<16xi32>], vector<16xf32>,
        %bitcast3A = vector.bitcast %gather3A : vector<16xf32> to vector<16xi32>
        %shift_right_arithmetic3A = arith.constant 31 : i32
        %shift_right_arithmetic3A_366 = vector.broadcast %shift_right_arithmetic3A : i32 to vector<16xi32>
        %shift_right_arithmetic3A_367 = arith.shrsi %bitcast3A, %shift_right_arithmetic3A_366 : vector<16xi32>
        %and3A = arith.constant 2147483647 : i32
        %and3A_368 = vector.broadcast %and3A : i32 to vector<16xi32>
        %and3A_369 = arith.andi %shift_right_arithmetic3A_367, %and3A_368 : vector<16xi32>
        %xor3A = arith.xori %bitcast3A, %and3A_369 : vector<16xi32>
        %mul3A_370 = arith.constant 16 : i32
        %mul3A_371 = arith.muli %add3A_355, %mul3A_370 : i32
        %swap3A_372 = arith.index_cast %mul3A_371 : i32 to index
        %swap3A_373 = tpu.vector_load %arg6[%swap3A_372] {strides = array<i32>} : memref<20000xi32, #tpu.memory_space<vmem>>, vector<16xi32>,
        tpu.vector_store %arg6[%swap3A_372], %xor3A {strides = array<i32>} : memref<20000xi32, #tpu.memory_space<vmem>>, vector<16xi32>,
        %shift_right_arithmetic3A_374 = arith.constant 20 : i32
        %shift_right_arithmetic3A_375 = vector.broadcast %shift_right_arithmetic3A_374 : i32 to vector<16xi32>
        %shift_right_arithmetic3A_376 = arith.shrsi %xor3A, %shift_right_arithmetic3A_375 : vector<16xi32>
        %add3A_377 = arith.constant 2048 : i32
        %add3A_378 = vector.broadcast %add3A_377 : i32 to vector<16xi32>
        %add3A_379 = arith.addi %shift_right_arithmetic3A_376, %add3A_378 : vector<16xi32>
        tpu.vector_store_idx %arg7[%add3A_379], %broadcast_in_dim3A_0 {add = true} : memref<4096xi32, #tpu.memory_space<vmem>>[vector<16xi32>], vector<16xi32>,
        %mul3A_380 = arith.constant 5 : i32
        %mul3A_381 = arith.muli %scan3A_350, %mul3A_380 : i32
        %add3A_382 = arith.constant 1 : i32
        %add3A_383 = arith.addi %mul3A_381, %add3A_382 : i32
        %mul3A_384 = arith.constant 16 : i32
        %mul3A_385 = arith.muli %add3A_383, %mul3A_384 : i32
        %add3A_386 = vector.broadcast %mul3A_385 : i32 to vector<16xi32>
        %add3A_387 = arith.addi %add3A_386, %iota3A : vector<16xi32>
        %mul3A_388 = arith.constant 5 : i32
        %mul3A_389 = vector.broadcast %mul3A_388 : i32 to vector<16xi32>
        %mul3A_390 = arith.muli %add3A_387, %mul3A_389 : vector<16xi32>
        %add3A_391 = arith.constant 4 : i32
        %add3A_392 = vector.broadcast %add3A_391 : i32 to vector<16xi32>
        %add3A_393 = arith.addi %mul3A_390, %add3A_392 : vector<16xi32>
        %gather3A_394 = tpu.vector_load_idx %arg5[%add3A_393] : memref<100000xf32, #tpu.memory_space<vmem>>[vector<16xi32>], vector<16xf32>,
        %bitcast3A_395 = vector.bitcast %gather3A_394 : vector<16xf32> to vector<16xi32>
        %shift_right_arithmetic3A_396 = arith.constant 31 : i32
        %shift_right_arithmetic3A_397 = vector.broadcast %shift_right_arithmetic3A_396 : i32 to vector<16xi32>
        %shift_right_arithmetic3A_398 = arith.shrsi %bitcast3A_395, %shift_right_arithmetic3A_397 : vector<16xi32>
        %and3A_399 = arith.constant 2147483647 : i32
        %and3A_400 = vector.broadcast %and3A_399 : i32 to vector<16xi32>
        %and3A_401 = arith.andi %shift_right_arithmetic3A_398, %and3A_400 : vector<16xi32>
        %xor3A_402 = arith.xori %bitcast3A_395, %and3A_401 : vector<16xi32>
        %mul3A_403 = arith.constant 16 : i32
        %mul3A_404 = arith.muli %add3A_383, %mul3A_403 : i32
        %swap3A_405 = arith.index_cast %mul3A_404 : i32 to index
        %swap3A_406 = tpu.vector_load %arg6[%swap3A_405] {strides = array<i32>} : memref<20000xi32, #tpu.memory_space<vmem>>, vector<16xi32>,
        tpu.vector_store %arg6[%swap3A_405], %xor3A_402 {strides = array<i32>} : memref<20000xi32, #tpu.memory_space<vmem>>, vector<16xi32>,
        %shift_right_arithmetic3A_407 = arith.constant 20 : i32
        %shift_right_arithmetic3A_408 = vector.broadcast %shift_right_arithmetic3A_407 : i32 to vector<16xi32>
        %shift_right_arithmetic3A_409 = arith.shrsi %xor3A_402, %shift_right_arithmetic3A_408 : vector<16xi32>
        %add3A_410 = arith.constant 2048 : i32
        %add3A_411 = vector.broadcast %add3A_410 : i32 to vector<16xi32>
        %add3A_412 = arith.addi %shift_right_arithmetic3A_409, %add3A_411 : vector<16xi32>
        tpu.vector_store_idx %arg7[%add3A_412], %broadcast_in_dim3A_0 {add = true} : memref<4096xi32, #tpu.memory_space<vmem>>[vector<16xi32>], vector<16xi32>,
        %mul3A_413 = arith.constant 5 : i32
        %mul3A_414 = arith.muli %scan3A_350, %mul3A_413 : i32
        %add3A_415 = arith.constant 2 : i32
        %add3A_416 = arith.addi %mul3A_414, %add3A_415 : i32
        %mul3A_417 = arith.constant 16 : i32
        %mul3A_418 = arith.muli %add3A_416, %mul3A_417 : i32
        %add3A_419 = vector.broadcast %mul3A_418 : i32 to vector<16xi32>
        %add3A_420 = arith.addi %add3A_419, %iota3A : vector<16xi32>
        %mul3A_421 = arith.constant 5 : i32
        %mul3A_422 = vector.broadcast %mul3A_421 : i32 to vector<16xi32>
        %mul3A_423 = arith.muli %add3A_420, %mul3A_422 : vector<16xi32>
        %add3A_424 = arith.constant 4 : i32
        %add3A_425 = vector.broadcast %add3A_424 : i32 to vector<16xi32>
        %add3A_426 = arith.addi %mul3A_423, %add3A_425 : vector<16xi32>
        %gather3A_427 = tpu.vector_load_idx %arg5[%add3A_426] : memref<100000xf32, #tpu.memory_space<vmem>>[vector<16xi32>], vector<16xf32>,
        %bitcast3A_428 = vector.bitcast %gather3A_427 : vector<16xf32> to vector<16xi32>
        %shift_right_arithmetic3A_429 = arith.constant 31 : i32
        %shift_right_arithmetic3A_430 = vector.broadcast %shift_right_arithmetic3A_429 : i32 to vector<16xi32>
        %shift_right_arithmetic3A_431 = arith.shrsi %bitcast3A_428, %shift_right_arithmetic3A_430 : vector<16xi32>
        %and3A_432 = arith.constant 2147483647 : i32
        %and3A_433 = vector.broadcast %and3A_432 : i32 to vector<16xi32>
        %and3A_434 = arith.andi %shift_right_arithmetic3A_431, %and3A_433 : vector<16xi32>
        %xor3A_435 = arith.xori %bitcast3A_428, %and3A_434 : vector<16xi32>
        %mul3A_436 = arith.constant 16 : i32
        %mul3A_437 = arith.muli %add3A_416, %mul3A_436 : i32
        %swap3A_438 = arith.index_cast %mul3A_437 : i32 to index
        %swap3A_439 = tpu.vector_load %arg6[%swap3A_438] {strides = array<i32>} : memref<20000xi32, #tpu.memory_space<vmem>>, vector<16xi32>,
        tpu.vector_store %arg6[%swap3A_438], %xor3A_435 {strides = array<i32>} : memref<20000xi32, #tpu.memory_space<vmem>>, vector<16xi32>,
        %shift_right_arithmetic3A_440 = arith.constant 20 : i32
        %shift_right_arithmetic3A_441 = vector.broadcast %shift_right_arithmetic3A_440 : i32 to vector<16xi32>
        %shift_right_arithmetic3A_442 = arith.shrsi %xor3A_435, %shift_right_arithmetic3A_441 : vector<16xi32>
        %add3A_443 = arith.constant 2048 : i32
        %add3A_444 = vector.broadcast %add3A_443 : i32 to vector<16xi32>
        %add3A_445 = arith.addi %shift_right_arithmetic3A_442, %add3A_444 : vector<16xi32>
        tpu.vector_store_idx %arg7[%add3A_445], %broadcast_in_dim3A_0 {add = true} : memref<4096xi32, #tpu.memory_space<vmem>>[vector<16xi32>], vector<16xi32>,
        %mul3A_446 = arith.constant 5 : i32
        %mul3A_447 = arith.muli %scan3A_350, %mul3A_446 : i32
        %add3A_448 = arith.constant 3 : i32
        %add3A_449 = arith.addi %mul3A_447, %add3A_448 : i32
        %mul3A_450 = arith.constant 16 : i32
        %mul3A_451 = arith.muli %add3A_449, %mul3A_450 : i32
        %add3A_452 = vector.broadcast %mul3A_451 : i32 to vector<16xi32>
        %add3A_453 = arith.addi %add3A_452, %iota3A : vector<16xi32>
        %mul3A_454 = arith.constant 5 : i32
        %mul3A_455 = vector.broadcast %mul3A_454 : i32 to vector<16xi32>
        %mul3A_456 = arith.muli %add3A_453, %mul3A_455 : vector<16xi32>
        %add3A_457 = arith.constant 4 : i32
        %add3A_458 = vector.broadcast %add3A_457 : i32 to vector<16xi32>
        %add3A_459 = arith.addi %mul3A_456, %add3A_458 : vector<16xi32>
        %gather3A_460 = tpu.vector_load_idx %arg5[%add3A_459] : memref<100000xf32, #tpu.memory_space<vmem>>[vector<16xi32>], vector<16xf32>,
        %bitcast3A_461 = vector.bitcast %gather3A_460 : vector<16xf32> to vector<16xi32>
        %shift_right_arithmetic3A_462 = arith.constant 31 : i32
        %shift_right_arithmetic3A_463 = vector.broadcast %shift_right_arithmetic3A_462 : i32 to vector<16xi32>
        %shift_right_arithmetic3A_464 = arith.shrsi %bitcast3A_461, %shift_right_arithmetic3A_463 : vector<16xi32>
        %and3A_465 = arith.constant 2147483647 : i32
        %and3A_466 = vector.broadcast %and3A_465 : i32 to vector<16xi32>
        %and3A_467 = arith.andi %shift_right_arithmetic3A_464, %and3A_466 : vector<16xi32>
        %xor3A_468 = arith.xori %bitcast3A_461, %and3A_467 : vector<16xi32>
        %mul3A_469 = arith.constant 16 : i32
        %mul3A_470 = arith.muli %add3A_449, %mul3A_469 : i32
        %swap3A_471 = arith.index_cast %mul3A_470 : i32 to index
        %swap3A_472 = tpu.vector_load %arg6[%swap3A_471] {strides = array<i32>} : memref<20000xi32, #tpu.memory_space<vmem>>, vector<16xi32>,
        tpu.vector_store %arg6[%swap3A_471], %xor3A_468 {strides = array<i32>} : memref<20000xi32, #tpu.memory_space<vmem>>, vector<16xi32>,
        %shift_right_arithmetic3A_473 = arith.constant 20 : i32
        %shift_right_arithmetic3A_474 = vector.broadcast %shift_right_arithmetic3A_473 : i32 to vector<16xi32>
        %shift_right_arithmetic3A_475 = arith.shrsi %xor3A_468, %shift_right_arithmetic3A_474 : vector<16xi32>
        %add3A_476 = arith.constant 2048 : i32
        %add3A_477 = vector.broadcast %add3A_476 : i32 to vector<16xi32>
        %add3A_478 = arith.addi %shift_right_arithmetic3A_475, %add3A_477 : vector<16xi32>
        tpu.vector_store_idx %arg7[%add3A_478], %broadcast_in_dim3A_0 {add = true} : memref<4096xi32, #tpu.memory_space<vmem>>[vector<16xi32>], vector<16xi32>,
        %mul3A_479 = arith.constant 5 : i32
        %mul3A_480 = arith.muli %scan3A_350, %mul3A_479 : i32
        %add3A_481 = arith.constant 4 : i32
        %add3A_482 = arith.addi %mul3A_480, %add3A_481 : i32
        %mul3A_483 = arith.constant 16 : i32
        %mul3A_484 = arith.muli %add3A_482, %mul3A_483 : i32
        %add3A_485 = vector.broadcast %mul3A_484 : i32 to vector<16xi32>
        %add3A_486 = arith.addi %add3A_485, %iota3A : vector<16xi32>
        %mul3A_487 = arith.constant 5 : i32
        %mul3A_488 = vector.broadcast %mul3A_487 : i32 to vector<16xi32>
        %mul3A_489 = arith.muli %add3A_486, %mul3A_488 : vector<16xi32>
        %add3A_490 = arith.constant 4 : i32
        %add3A_491 = vector.broadcast %add3A_490 : i32 to vector<16xi32>
        %add3A_492 = arith.addi %mul3A_489, %add3A_491 : vector<16xi32>
        %gather3A_493 = tpu.vector_load_idx %arg5[%add3A_492] : memref<100000xf32, #tpu.memory_space<vmem>>[vector<16xi32>], vector<16xf32>,
        %bitcast3A_494 = vector.bitcast %gather3A_493 : vector<16xf32> to vector<16xi32>
        %shift_right_arithmetic3A_495 = arith.constant 31 : i32
        %shift_right_arithmetic3A_496 = vector.broadcast %shift_right_arithmetic3A_495 : i32 to vector<16xi32>
        %shift_right_arithmetic3A_497 = arith.shrsi %bitcast3A_494, %shift_right_arithmetic3A_496 : vector<16xi32>
        %and3A_498 = arith.constant 2147483647 : i32
        %and3A_499 = vector.broadcast %and3A_498 : i32 to vector<16xi32>
        %and3A_500 = arith.andi %shift_right_arithmetic3A_497, %and3A_499 : vector<16xi32>
        %xor3A_501 = arith.xori %bitcast3A_494, %and3A_500 : vector<16xi32>
        %mul3A_502 = arith.constant 16 : i32
        %mul3A_503 = arith.muli %add3A_482, %mul3A_502 : i32
        %swap3A_504 = arith.index_cast %mul3A_503 : i32 to index
        %swap3A_505 = tpu.vector_load %arg6[%swap3A_504] {strides = array<i32>} : memref<20000xi32, #tpu.memory_space<vmem>>, vector<16xi32>,
        tpu.vector_store %arg6[%swap3A_504], %xor3A_501 {strides = array<i32>} : memref<20000xi32, #tpu.memory_space<vmem>>, vector<16xi32>,
        %shift_right_arithmetic3A_506 = arith.constant 20 : i32
        %shift_right_arithmetic3A_507 = vector.broadcast %shift_right_arithmetic3A_506 : i32 to vector<16xi32>
        %shift_right_arithmetic3A_508 = arith.shrsi %xor3A_501, %shift_right_arithmetic3A_507 : vector<16xi32>
        %add3A_509 = arith.constant 2048 : i32
        %add3A_510 = vector.broadcast %add3A_509 : i32 to vector<16xi32>
        %add3A_511 = arith.addi %shift_right_arithmetic3A_508, %add3A_510 : vector<16xi32>
        tpu.vector_store_idx %arg7[%add3A_511], %broadcast_in_dim3A_0 {add = true} : memref<4096xi32, #tpu.memory_space<vmem>>[vector<16xi32>], vector<16xi32>,
        %scan3A_512 = arith.constant 0 : i32
        scf.yield %scan3A_512 : i32
      }
      %scan3A_64 = arith.constant 250 : i32
      %scan3A_65 = arith.constant 0 : i32
      %scan3A_66 = arith.constant 0 : i32
      %scan3A_67 = arith.constant 0 : i32
      %scan3A_68 = arith.constant false
      %scan3A_69 = arith.constant 0 : i32
      %scan3A_70 = arith.constant 64 : i32
      %scan3A_71 = arith.addi %scan3A_69, %scan3A_70 : i32
      %scan3A_72 = arith.constant 1 : i32
      %scan3A_73:4 = scf.for %scan3A_350 = %scan3A_69 to %scan3A_71 step %scan3A_72 iter_args(%scan3A_351 = %scan3A_65, %scan3A_352 = %scan3A_66, %scan3A_353 = %scan3A_67, %scan3A_354 = %scan3A_68) -> (i32, i32, i32, i1)  : i32 {
        %mul3A_355 = arith.constant 4 : i32
        %mul3A_356 = arith.muli %scan3A_350, %mul3A_355 : i32
        %add3A_357 = arith.constant 0 : i32
        %add3A_358 = arith.addi %mul3A_356, %add3A_357 : i32
        %add3A_359 = arith.constant 1 : i32
        %add3A_360 = arith.addi %add3A_358, %add3A_359 : i32
        %mul3A_361 = arith.constant 16 : i32
        %mul3A_362 = arith.muli %add3A_360, %mul3A_361 : i32
        %sub3A_363 = arith.constant 4096 : i32
        %sub3A_364 = arith.subi %sub3A_363, %mul3A_362 : i32
        %get3A_365 = arith.index_cast %sub3A_364 : i32 to index
        %get3A_366 = tpu.vector_load %arg7[%get3A_365] {strides = array<i32>} : memref<4096xi32, #tpu.memory_space<vmem>>, vector<16xi32>,
        %reduce_sum3A = arith.constant true
        %reduce_sum3A_367 = vector.broadcast %reduce_sum3A : i1 to vector<16xi1>
        %reduce_sum3A_368 = tpu.scan <sum>, %get3A_366 masked %reduce_sum3A_367 : vector<16xi32>, vector<16xi1> -> vector<16xi32>
        %reduce_sum3A_369 = vector.extract %reduce_sum3A_368[15] : i32 from vector<16xi32>
        %not3A = arith.constant true
        %not3A_370 = arith.xori %scan3A_354, %not3A : i1
        %add3A_371 = arith.addi %scan3A_351, %reduce_sum3A_369 : i32
        %ge3A_372 = arith.constant 100 : i32
        %ge3A_373 = arith.cmpi sge, %add3A_371, %ge3A_372 : i32
        %and3A = arith.andi %not3A_370, %ge3A_373 : i1
        %select_n3A_374 = arith.select %and3A, %sub3A_364, %scan3A_352 : i32
        %select_n3A_375 = arith.select %and3A, %scan3A_351, %scan3A_353 : i32
        %or3A = arith.ori %scan3A_354, %and3A : i1
        %add3A_376 = arith.addi %scan3A_351, %reduce_sum3A_369 : i32
        %mul3A_377 = arith.constant 4 : i32
        %mul3A_378 = arith.muli %scan3A_350, %mul3A_377 : i32
        %add3A_379 = arith.constant 1 : i32
        %add3A_380 = arith.addi %mul3A_378, %add3A_379 : i32
        %add3A_381 = arith.constant 1 : i32
        %add3A_382 = arith.addi %add3A_380, %add3A_381 : i32
        %mul3A_383 = arith.constant 16 : i32
        %mul3A_384 = arith.muli %add3A_382, %mul3A_383 : i32
        %sub3A_385 = arith.constant 4096 : i32
        %sub3A_386 = arith.subi %sub3A_385, %mul3A_384 : i32
        %get3A_387 = arith.index_cast %sub3A_386 : i32 to index
        %get3A_388 = tpu.vector_load %arg7[%get3A_387] {strides = array<i32>} : memref<4096xi32, #tpu.memory_space<vmem>>, vector<16xi32>,
        %reduce_sum3A_389 = arith.constant true
        %reduce_sum3A_390 = vector.broadcast %reduce_sum3A_389 : i1 to vector<16xi1>
        %reduce_sum3A_391 = tpu.scan <sum>, %get3A_388 masked %reduce_sum3A_390 : vector<16xi32>, vector<16xi1> -> vector<16xi32>
        %reduce_sum3A_392 = vector.extract %reduce_sum3A_391[15] : i32 from vector<16xi32>
        %not3A_393 = arith.constant true
        %not3A_394 = arith.xori %or3A, %not3A_393 : i1
        %add3A_395 = arith.addi %add3A_376, %reduce_sum3A_392 : i32
        %ge3A_396 = arith.constant 100 : i32
        %ge3A_397 = arith.cmpi sge, %add3A_395, %ge3A_396 : i32
        %and3A_398 = arith.andi %not3A_394, %ge3A_397 : i1
        %select_n3A_399 = arith.select %and3A_398, %sub3A_386, %select_n3A_374 : i32
        %select_n3A_400 = arith.select %and3A_398, %add3A_376, %select_n3A_375 : i32
        %or3A_401 = arith.ori %or3A, %and3A_398 : i1
        %add3A_402 = arith.addi %add3A_376, %reduce_sum3A_392 : i32
        %mul3A_403 = arith.constant 4 : i32
        %mul3A_404 = arith.muli %scan3A_350, %mul3A_403 : i32
        %add3A_405 = arith.constant 2 : i32
        %add3A_406 = arith.addi %mul3A_404, %add3A_405 : i32
        %add3A_407 = arith.constant 1 : i32
        %add3A_408 = arith.addi %add3A_406, %add3A_407 : i32
        %mul3A_409 = arith.constant 16 : i32
        %mul3A_410 = arith.muli %add3A_408, %mul3A_409 : i32
        %sub3A_411 = arith.constant 4096 : i32
        %sub3A_412 = arith.subi %sub3A_411, %mul3A_410 : i32
        %get3A_413 = arith.index_cast %sub3A_412 : i32 to index
        %get3A_414 = tpu.vector_load %arg7[%get3A_413] {strides = array<i32>} : memref<4096xi32, #tpu.memory_space<vmem>>, vector<16xi32>,
        %reduce_sum3A_415 = arith.constant true
        %reduce_sum3A_416 = vector.broadcast %reduce_sum3A_415 : i1 to vector<16xi1>
        %reduce_sum3A_417 = tpu.scan <sum>, %get3A_414 masked %reduce_sum3A_416 : vector<16xi32>, vector<16xi1> -> vector<16xi32>
        %reduce_sum3A_418 = vector.extract %reduce_sum3A_417[15] : i32 from vector<16xi32>
        %not3A_419 = arith.constant true
        %not3A_420 = arith.xori %or3A_401, %not3A_419 : i1
        %add3A_421 = arith.addi %add3A_402, %reduce_sum3A_418 : i32
        %ge3A_422 = arith.constant 100 : i32
        %ge3A_423 = arith.cmpi sge, %add3A_421, %ge3A_422 : i32
        %and3A_424 = arith.andi %not3A_420, %ge3A_423 : i1
        %select_n3A_425 = arith.select %and3A_424, %sub3A_412, %select_n3A_399 : i32
        %select_n3A_426 = arith.select %and3A_424, %add3A_402, %select_n3A_400 : i32
        %or3A_427 = arith.ori %or3A_401, %and3A_424 : i1
        %add3A_428 = arith.addi %add3A_402, %reduce_sum3A_418 : i32
        %mul3A_429 = arith.constant 4 : i32
        %mul3A_430 = arith.muli %scan3A_350, %mul3A_429 : i32
        %add3A_431 = arith.constant 3 : i32
        %add3A_432 = arith.addi %mul3A_430, %add3A_431 : i32
        %add3A_433 = arith.constant 1 : i32
        %add3A_434 = arith.addi %add3A_432, %add3A_433 : i32
        %mul3A_435 = arith.constant 16 : i32
        %mul3A_436 = arith.muli %add3A_434, %mul3A_435 : i32
        %sub3A_437 = arith.constant 4096 : i32
        %sub3A_438 = arith.subi %sub3A_437, %mul3A_436 : i32
        %get3A_439 = arith.index_cast %sub3A_438 : i32 to index
        %get3A_440 = tpu.vector_load %arg7[%get3A_439] {strides = array<i32>} : memref<4096xi32, #tpu.memory_space<vmem>>, vector<16xi32>,
        %reduce_sum3A_441 = arith.constant true
        %reduce_sum3A_442 = vector.broadcast %reduce_sum3A_441 : i1 to vector<16xi1>
        %reduce_sum3A_443 = tpu.scan <sum>, %get3A_440 masked %reduce_sum3A_442 : vector<16xi32>, vector<16xi1> -> vector<16xi32>
        %reduce_sum3A_444 = vector.extract %reduce_sum3A_443[15] : i32 from vector<16xi32>
        %not3A_445 = arith.constant true
        %not3A_446 = arith.xori %or3A_427, %not3A_445 : i1
        %add3A_447 = arith.addi %add3A_428, %reduce_sum3A_444 : i32
        %ge3A_448 = arith.constant 100 : i32
        %ge3A_449 = arith.cmpi sge, %add3A_447, %ge3A_448 : i32
        %and3A_450 = arith.andi %not3A_446, %ge3A_449 : i1
        %select_n3A_451 = arith.select %and3A_450, %sub3A_438, %select_n3A_425 : i32
        %select_n3A_452 = arith.select %and3A_450, %add3A_428, %select_n3A_426 : i32
        %or3A_453 = arith.ori %or3A_427, %and3A_450 : i1
        %add3A_454 = arith.addi %add3A_428, %reduce_sum3A_444 : i32
        scf.yield %add3A_454, %select_n3A_451, %select_n3A_452, %or3A_453 : i32, i32, i32, i1
      }
      %scan3A_74 = arith.constant 64 : i32
      %get3A = arith.index_cast %scan3A_73#1 : i32 to index
      %get3A_75 = tpu.vector_load %arg7[%get3A] {strides = array<i32>} : memref<4096xi32, #tpu.memory_space<vmem>>, vector<16xi32>,
      %rev3A = arith.constant 15 : i32
      %rev3A_76 = vector.broadcast %rev3A : i32 to vector<16xi32>
      %rev3A_77 = tpu.iota {dimensions = array<i32: 0>} : vector<16xi32>
      %rev3A_78 = arith.subi %rev3A_76, %rev3A_77 : vector<16xi32>
      %rev3A_79 = tpu.dynamic_gather %get3A_75[%rev3A_78] in [0] : vector<16xi32>, vector<16xi32> -> vector<16xi32>
      %broadcast_in_dim3A_80 = arith.constant true
      %broadcast_in_dim3A_81 = vector.broadcast %broadcast_in_dim3A_80 : i1 to vector<16xi1>
      %masked_cumsum3A = tpu.scan <sum>, %rev3A_79 masked %broadcast_in_dim3A_81 : vector<16xi32>, vector<16xi1> -> vector<16xi32>
      %add3A_82 = vector.broadcast %scan3A_73#2 : i32 to vector<16xi32>
      %add3A_83 = arith.addi %add3A_82, %masked_cumsum3A : vector<16xi32>
      %ge3A = arith.constant 100 : i32
      %ge3A_84 = vector.broadcast %ge3A : i32 to vector<16xi32>
      %ge3A_85 = arith.cmpi sge, %add3A_83, %ge3A_84 : vector<16xi32>
      %all_reduce_ffs3A = tpu.all_reduce %ge3A_85 {dim = 0 : i64, kind = #tpu.reduction_kind<find_first_set>} : vector<16xi1> -> vector<16xi32>
      %slice3A = vector.extract_strided_slice %all_reduce_ffs3A {offsets = [0], sizes = [1], strides = [1]} : vector<16xi32> to vector<1xi32>
      %squeeze3A = vector.extract %slice3A[0] : i32 from vector<1xi32>
      %add3A_86 = arith.constant 15 : i32
      %add3A_87 = arith.addi %scan3A_73#1, %add3A_86 : i32
      %sub3A = arith.subi %add3A_87, %squeeze3A : i32
      %scan3A_88 = arith.constant 0 : i32
      %scan3A_89 = arith.constant 0 : i32
      %scan3A_90 = arith.constant 250 : i32
      %scan3A_91 = arith.addi %scan3A_89, %scan3A_90 : i32
      %scan3A_92 = arith.constant 1 : i32
      %scan3A_93 = scf.for %scan3A_350 = %scan3A_89 to %scan3A_91 step %scan3A_92 iter_args(%scan3A_351 = %scan3A_88) -> (i32)  : i32 {
        %mul3A_352 = arith.constant 5 : i32
        %mul3A_353 = arith.muli %scan3A_350, %mul3A_352 : i32
        %add3A_354 = arith.constant 0 : i32
        %add3A_355 = arith.addi %mul3A_353, %add3A_354 : i32
        %mul3A_356 = arith.constant 16 : i32
        %mul3A_357 = arith.muli %add3A_355, %mul3A_356 : i32
        %get3A_358 = arith.index_cast %mul3A_357 : i32 to index
        %get3A_359 = tpu.vector_load %arg6[%get3A_358] {strides = array<i32>} : memref<20000xi32, #tpu.memory_space<vmem>>, vector<16xi32>,
        %shift_right_arithmetic3A = arith.constant 20 : i32
        %shift_right_arithmetic3A_360 = vector.broadcast %shift_right_arithmetic3A : i32 to vector<16xi32>
        %shift_right_arithmetic3A_361 = arith.shrsi %get3A_359, %shift_right_arithmetic3A_360 : vector<16xi32>
        %add3A_362 = arith.constant 2048 : i32
        %add3A_363 = vector.broadcast %add3A_362 : i32 to vector<16xi32>
        %add3A_364 = arith.addi %shift_right_arithmetic3A_361, %add3A_363 : vector<16xi32>
        %ge3A_365 = vector.broadcast %sub3A : i32 to vector<16xi32>
        %ge3A_366 = arith.cmpi sge, %add3A_364, %ge3A_365 : vector<16xi32>
        %min3A_367 = arith.constant 240 : i32
        %min3A_368 = arith.minsi %scan3A_351, %min3A_367 : i32
        %swap3A_369 = arith.index_cast %min3A_368 : i32 to index
        %swap3A_370 = tpu.vector_load %arg8[%swap3A_369] masked %ge3A_366 {strides = array<i32>} : memref<256xi32, #tpu.memory_space<vmem>>, vector<16xi32>, vector<16xi1>
        tpu.vector_store %arg8[%swap3A_369], %get3A_359 masked %ge3A_366 {strides = array<i32>} : memref<256xi32, #tpu.memory_space<vmem>>, vector<16xi32>, vector<16xi1>
        %mul3A_371 = arith.constant 16 : i32
        %mul3A_372 = arith.muli %add3A_355, %mul3A_371 : i32
        %add3A_373 = vector.broadcast %mul3A_372 : i32 to vector<16xi32>
        %add3A_374 = arith.addi %add3A_373, %iota3A : vector<16xi32>
        %swap3A_375 = arith.index_cast %min3A_368 : i32 to index
        %swap3A_376 = tpu.vector_load %arg9[%swap3A_375] masked %ge3A_366 {strides = array<i32>} : memref<256xi32, #tpu.memory_space<vmem>>, vector<16xi32>, vector<16xi1>
        tpu.vector_store %arg9[%swap3A_375], %add3A_374 masked %ge3A_366 {strides = array<i32>} : memref<256xi32, #tpu.memory_space<vmem>>, vector<16xi32>, vector<16xi1>
        %all_reduce_population_count3A = tpu.all_reduce %ge3A_366 {dim = 0 : i64, kind = #tpu.reduction_kind<sum>} : vector<16xi1> -> vector<16xi32>
        %slice3A_377 = vector.extract_strided_slice %all_reduce_population_count3A {offsets = [0], sizes = [1], strides = [1]} : vector<16xi32> to vector<1xi32>
        %squeeze3A_378 = vector.extract %slice3A_377[0] : i32 from vector<1xi32>
        %add3A_379 = arith.addi %scan3A_351, %squeeze3A_378 : i32
        %mul3A_380 = arith.constant 5 : i32
        %mul3A_381 = arith.muli %scan3A_350, %mul3A_380 : i32
        %add3A_382 = arith.constant 1 : i32
        %add3A_383 = arith.addi %mul3A_381, %add3A_382 : i32
        %mul3A_384 = arith.constant 16 : i32
        %mul3A_385 = arith.muli %add3A_383, %mul3A_384 : i32
        %get3A_386 = arith.index_cast %mul3A_385 : i32 to index
        %get3A_387 = tpu.vector_load %arg6[%get3A_386] {strides = array<i32>} : memref<20000xi32, #tpu.memory_space<vmem>>, vector<16xi32>,
        %shift_right_arithmetic3A_388 = arith.constant 20 : i32
        %shift_right_arithmetic3A_389 = vector.broadcast %shift_right_arithmetic3A_388 : i32 to vector<16xi32>
        %shift_right_arithmetic3A_390 = arith.shrsi %get3A_387, %shift_right_arithmetic3A_389 : vector<16xi32>
        %add3A_391 = arith.constant 2048 : i32
        %add3A_392 = vector.broadcast %add3A_391 : i32 to vector<16xi32>
        %add3A_393 = arith.addi %shift_right_arithmetic3A_390, %add3A_392 : vector<16xi32>
        %ge3A_394 = vector.broadcast %sub3A : i32 to vector<16xi32>
        %ge3A_395 = arith.cmpi sge, %add3A_393, %ge3A_394 : vector<16xi32>
        %min3A_396 = arith.constant 240 : i32
        %min3A_397 = arith.minsi %add3A_379, %min3A_396 : i32
        %swap3A_398 = arith.index_cast %min3A_397 : i32 to index
        %swap3A_399 = tpu.vector_load %arg8[%swap3A_398] masked %ge3A_395 {strides = array<i32>} : memref<256xi32, #tpu.memory_space<vmem>>, vector<16xi32>, vector<16xi1>
        tpu.vector_store %arg8[%swap3A_398], %get3A_387 masked %ge3A_395 {strides = array<i32>} : memref<256xi32, #tpu.memory_space<vmem>>, vector<16xi32>, vector<16xi1>
        %mul3A_400 = arith.constant 16 : i32
        %mul3A_401 = arith.muli %add3A_383, %mul3A_400 : i32
        %add3A_402 = vector.broadcast %mul3A_401 : i32 to vector<16xi32>
        %add3A_403 = arith.addi %add3A_402, %iota3A : vector<16xi32>
        %swap3A_404 = arith.index_cast %min3A_397 : i32 to index
        %swap3A_405 = tpu.vector_load %arg9[%swap3A_404] masked %ge3A_395 {strides = array<i32>} : memref<256xi32, #tpu.memory_space<vmem>>, vector<16xi32>, vector<16xi1>
        tpu.vector_store %arg9[%swap3A_404], %add3A_403 masked %ge3A_395 {strides = array<i32>} : memref<256xi32, #tpu.memory_space<vmem>>, vector<16xi32>, vector<16xi1>
        %all_reduce_population_count3A_406 = tpu.all_reduce %ge3A_395 {dim = 0 : i64, kind = #tpu.reduction_kind<sum>} : vector<16xi1> -> vector<16xi32>
        %slice3A_407 = vector.extract_strided_slice %all_reduce_population_count3A_406 {offsets = [0], sizes = [1], strides = [1]} : vector<16xi32> to vector<1xi32>
        %squeeze3A_408 = vector.extract %slice3A_407[0] : i32 from vector<1xi32>
        %add3A_409 = arith.addi %add3A_379, %squeeze3A_408 : i32
        %mul3A_410 = arith.constant 5 : i32
        %mul3A_411 = arith.muli %scan3A_350, %mul3A_410 : i32
        %add3A_412 = arith.constant 2 : i32
        %add3A_413 = arith.addi %mul3A_411, %add3A_412 : i32
        %mul3A_414 = arith.constant 16 : i32
        %mul3A_415 = arith.muli %add3A_413, %mul3A_414 : i32
        %get3A_416 = arith.index_cast %mul3A_415 : i32 to index
        %get3A_417 = tpu.vector_load %arg6[%get3A_416] {strides = array<i32>} : memref<20000xi32, #tpu.memory_space<vmem>>, vector<16xi32>,
        %shift_right_arithmetic3A_418 = arith.constant 20 : i32
        %shift_right_arithmetic3A_419 = vector.broadcast %shift_right_arithmetic3A_418 : i32 to vector<16xi32>
        %shift_right_arithmetic3A_420 = arith.shrsi %get3A_417, %shift_right_arithmetic3A_419 : vector<16xi32>
        %add3A_421 = arith.constant 2048 : i32
        %add3A_422 = vector.broadcast %add3A_421 : i32 to vector<16xi32>
        %add3A_423 = arith.addi %shift_right_arithmetic3A_420, %add3A_422 : vector<16xi32>
        %ge3A_424 = vector.broadcast %sub3A : i32 to vector<16xi32>
        %ge3A_425 = arith.cmpi sge, %add3A_423, %ge3A_424 : vector<16xi32>
        %min3A_426 = arith.constant 240 : i32
        %min3A_427 = arith.minsi %add3A_409, %min3A_426 : i32
        %swap3A_428 = arith.index_cast %min3A_427 : i32 to index
        %swap3A_429 = tpu.vector_load %arg8[%swap3A_428] masked %ge3A_425 {strides = array<i32>} : memref<256xi32, #tpu.memory_space<vmem>>, vector<16xi32>, vector<16xi1>
        tpu.vector_store %arg8[%swap3A_428], %get3A_417 masked %ge3A_425 {strides = array<i32>} : memref<256xi32, #tpu.memory_space<vmem>>, vector<16xi32>, vector<16xi1>
        %mul3A_430 = arith.constant 16 : i32
        %mul3A_431 = arith.muli %add3A_413, %mul3A_430 : i32
        %add3A_432 = vector.broadcast %mul3A_431 : i32 to vector<16xi32>
        %add3A_433 = arith.addi %add3A_432, %iota3A : vector<16xi32>
        %swap3A_434 = arith.index_cast %min3A_427 : i32 to index
        %swap3A_435 = tpu.vector_load %arg9[%swap3A_434] masked %ge3A_425 {strides = array<i32>} : memref<256xi32, #tpu.memory_space<vmem>>, vector<16xi32>, vector<16xi1>
        tpu.vector_store %arg9[%swap3A_434], %add3A_433 masked %ge3A_425 {strides = array<i32>} : memref<256xi32, #tpu.memory_space<vmem>>, vector<16xi32>, vector<16xi1>
        %all_reduce_population_count3A_436 = tpu.all_reduce %ge3A_425 {dim = 0 : i64, kind = #tpu.reduction_kind<sum>} : vector<16xi1> -> vector<16xi32>
        %slice3A_437 = vector.extract_strided_slice %all_reduce_population_count3A_436 {offsets = [0], sizes = [1], strides = [1]} : vector<16xi32> to vector<1xi32>
        %squeeze3A_438 = vector.extract %slice3A_437[0] : i32 from vector<1xi32>
        %add3A_439 = arith.addi %add3A_409, %squeeze3A_438 : i32
        %mul3A_440 = arith.constant 5 : i32
        %mul3A_441 = arith.muli %scan3A_350, %mul3A_440 : i32
        %add3A_442 = arith.constant 3 : i32
        %add3A_443 = arith.addi %mul3A_441, %add3A_442 : i32
        %mul3A_444 = arith.constant 16 : i32
        %mul3A_445 = arith.muli %add3A_443, %mul3A_444 : i32
        %get3A_446 = arith.index_cast %mul3A_445 : i32 to index
        %get3A_447 = tpu.vector_load %arg6[%get3A_446] {strides = array<i32>} : memref<20000xi32, #tpu.memory_space<vmem>>, vector<16xi32>,
        %shift_right_arithmetic3A_448 = arith.constant 20 : i32
        %shift_right_arithmetic3A_449 = vector.broadcast %shift_right_arithmetic3A_448 : i32 to vector<16xi32>
        %shift_right_arithmetic3A_450 = arith.shrsi %get3A_447, %shift_right_arithmetic3A_449 : vector<16xi32>
        %add3A_451 = arith.constant 2048 : i32
        %add3A_452 = vector.broadcast %add3A_451 : i32 to vector<16xi32>
        %add3A_453 = arith.addi %shift_right_arithmetic3A_450, %add3A_452 : vector<16xi32>
        %ge3A_454 = vector.broadcast %sub3A : i32 to vector<16xi32>
        %ge3A_455 = arith.cmpi sge, %add3A_453, %ge3A_454 : vector<16xi32>
        %min3A_456 = arith.constant 240 : i32
        %min3A_457 = arith.minsi %add3A_439, %min3A_456 : i32
        %swap3A_458 = arith.index_cast %min3A_457 : i32 to index
        %swap3A_459 = tpu.vector_load %arg8[%swap3A_458] masked %ge3A_455 {strides = array<i32>} : memref<256xi32, #tpu.memory_space<vmem>>, vector<16xi32>, vector<16xi1>
        tpu.vector_store %arg8[%swap3A_458], %get3A_447 masked %ge3A_455 {strides = array<i32>} : memref<256xi32, #tpu.memory_space<vmem>>, vector<16xi32>, vector<16xi1>
        %mul3A_460 = arith.constant 16 : i32
        %mul3A_461 = arith.muli %add3A_443, %mul3A_460 : i32
        %add3A_462 = vector.broadcast %mul3A_461 : i32 to vector<16xi32>
        %add3A_463 = arith.addi %add3A_462, %iota3A : vector<16xi32>
        %swap3A_464 = arith.index_cast %min3A_457 : i32 to index
        %swap3A_465 = tpu.vector_load %arg9[%swap3A_464] masked %ge3A_455 {strides = array<i32>} : memref<256xi32, #tpu.memory_space<vmem>>, vector<16xi32>, vector<16xi1>
        tpu.vector_store %arg9[%swap3A_464], %add3A_463 masked %ge3A_455 {strides = array<i32>} : memref<256xi32, #tpu.memory_space<vmem>>, vector<16xi32>, vector<16xi1>
        %all_reduce_population_count3A_466 = tpu.all_reduce %ge3A_455 {dim = 0 : i64, kind = #tpu.reduction_kind<sum>} : vector<16xi1> -> vector<16xi32>
        %slice3A_467 = vector.extract_strided_slice %all_reduce_population_count3A_466 {offsets = [0], sizes = [1], strides = [1]} : vector<16xi32> to vector<1xi32>
        %squeeze3A_468 = vector.extract %slice3A_467[0] : i32 from vector<1xi32>
        %add3A_469 = arith.addi %add3A_439, %squeeze3A_468 : i32
        %mul3A_470 = arith.constant 5 : i32
        %mul3A_471 = arith.muli %scan3A_350, %mul3A_470 : i32
        %add3A_472 = arith.constant 4 : i32
        %add3A_473 = arith.addi %mul3A_471, %add3A_472 : i32
        %mul3A_474 = arith.constant 16 : i32
        %mul3A_475 = arith.muli %add3A_473, %mul3A_474 : i32
        %get3A_476 = arith.index_cast %mul3A_475 : i32 to index
        %get3A_477 = tpu.vector_load %arg6[%get3A_476] {strides = array<i32>} : memref<20000xi32, #tpu.memory_space<vmem>>, vector<16xi32>,
        %shift_right_arithmetic3A_478 = arith.constant 20 : i32
        %shift_right_arithmetic3A_479 = vector.broadcast %shift_right_arithmetic3A_478 : i32 to vector<16xi32>
        %shift_right_arithmetic3A_480 = arith.shrsi %get3A_477, %shift_right_arithmetic3A_479 : vector<16xi32>
        %add3A_481 = arith.constant 2048 : i32
        %add3A_482 = vector.broadcast %add3A_481 : i32 to vector<16xi32>
        %add3A_483 = arith.addi %shift_right_arithmetic3A_480, %add3A_482 : vector<16xi32>
        %ge3A_484 = vector.broadcast %sub3A : i32 to vector<16xi32>
        %ge3A_485 = arith.cmpi sge, %add3A_483, %ge3A_484 : vector<16xi32>
        %min3A_486 = arith.constant 240 : i32
        %min3A_487 = arith.minsi %add3A_469, %min3A_486 : i32
        %swap3A_488 = arith.index_cast %min3A_487 : i32 to index
        %swap3A_489 = tpu.vector_load %arg8[%swap3A_488] masked %ge3A_485 {strides = array<i32>} : memref<256xi32, #tpu.memory_space<vmem>>, vector<16xi32>, vector<16xi1>
        tpu.vector_store %arg8[%swap3A_488], %get3A_477 masked %ge3A_485 {strides = array<i32>} : memref<256xi32, #tpu.memory_space<vmem>>, vector<16xi32>, vector<16xi1>
        %mul3A_490 = arith.constant 16 : i32
        %mul3A_491 = arith.muli %add3A_473, %mul3A_490 : i32
        %add3A_492 = vector.broadcast %mul3A_491 : i32 to vector<16xi32>
        %add3A_493 = arith.addi %add3A_492, %iota3A : vector<16xi32>
        %swap3A_494 = arith.index_cast %min3A_487 : i32 to index
        %swap3A_495 = tpu.vector_load %arg9[%swap3A_494] masked %ge3A_485 {strides = array<i32>} : memref<256xi32, #tpu.memory_space<vmem>>, vector<16xi32>, vector<16xi1>
        tpu.vector_store %arg9[%swap3A_494], %add3A_493 masked %ge3A_485 {strides = array<i32>} : memref<256xi32, #tpu.memory_space<vmem>>, vector<16xi32>, vector<16xi1>
        %all_reduce_population_count3A_496 = tpu.all_reduce %ge3A_485 {dim = 0 : i64, kind = #tpu.reduction_kind<sum>} : vector<16xi1> -> vector<16xi32>
        %slice3A_497 = vector.extract_strided_slice %all_reduce_population_count3A_496 {offsets = [0], sizes = [1], strides = [1]} : vector<16xi32> to vector<1xi32>
        %squeeze3A_498 = vector.extract %slice3A_497[0] : i32 from vector<1xi32>
        %add3A_499 = arith.addi %add3A_469, %squeeze3A_498 : i32
        scf.yield %add3A_499 : i32
      }
      %scan3A_94 = arith.constant 250 : i32
      %get3A_95 = arith.constant 0 : index
      %get3A_96 = tpu.vector_load %arg8[%get3A_95] {strides = array<i32>} : memref<256xi32, #tpu.memory_space<vmem>>, vector<16xi32>,
      %reduce_max3A = arith.constant true
      %reduce_max3A_97 = vector.broadcast %reduce_max3A : i1 to vector<16xi1>
      %reduce_max3A_98 = arith.constant -2147483648 : i32
      %reduce_max3A_99 = vector.broadcast %reduce_max3A_98 : i32 to vector<16xi32>
      %reduce_max3A_100 = arith.xori %get3A_96, %reduce_max3A_99 : vector<16xi32>
      %reduce_max3A_101 = tpu.scan <max>, %reduce_max3A_100 masked %reduce_max3A_97 : vector<16xi32>, vector<16xi1> -> vector<16xi32>
      %reduce_max3A_102 = arith.xori %reduce_max3A_101, %reduce_max3A_99 : vector<16xi32>
      %reduce_max3A_103 = vector.extract %reduce_max3A_102[15] : i32 from vector<16xi32>
      %eq3A = arith.constant 0 : i32
      %eq3A_104 = vector.broadcast %eq3A : i32 to vector<16xi32>
      %eq3A_105 = arith.cmpi eq, %iota3A, %eq3A_104 : vector<16xi32>
      %broadcast_in_dim3A_106 = vector.broadcast %reduce_max3A_103 : i32 to vector<16xi32>
      %select_n3A = arith.select %eq3A_105, %broadcast_in_dim3A_106, %broadcast_in_dim3A_4 : vector<16xi1>, vector<16xi32>
      %get3A_107 = arith.constant 16 : index
      %get3A_108 = tpu.vector_load %arg8[%get3A_107] {strides = array<i32>} : memref<256xi32, #tpu.memory_space<vmem>>, vector<16xi32>,
      %reduce_max3A_109 = arith.constant true
      %reduce_max3A_110 = vector.broadcast %reduce_max3A_109 : i1 to vector<16xi1>
      %reduce_max3A_111 = arith.constant -2147483648 : i32
      %reduce_max3A_112 = vector.broadcast %reduce_max3A_111 : i32 to vector<16xi32>
      %reduce_max3A_113 = arith.xori %get3A_108, %reduce_max3A_112 : vector<16xi32>
      %reduce_max3A_114 = tpu.scan <max>, %reduce_max3A_113 masked %reduce_max3A_110 : vector<16xi32>, vector<16xi1> -> vector<16xi32>
      %reduce_max3A_115 = arith.xori %reduce_max3A_114, %reduce_max3A_112 : vector<16xi32>
      %reduce_max3A_116 = vector.extract %reduce_max3A_115[15] : i32 from vector<16xi32>
      %eq3A_117 = arith.constant 1 : i32
      %eq3A_118 = vector.broadcast %eq3A_117 : i32 to vector<16xi32>
      %eq3A_119 = arith.cmpi eq, %iota3A, %eq3A_118 : vector<16xi32>
      %broadcast_in_dim3A_120 = vector.broadcast %reduce_max3A_116 : i32 to vector<16xi32>
      %select_n3A_121 = arith.select %eq3A_119, %broadcast_in_dim3A_120, %select_n3A : vector<16xi1>, vector<16xi32>
      %get3A_122 = arith.constant 32 : index
      %get3A_123 = tpu.vector_load %arg8[%get3A_122] {strides = array<i32>} : memref<256xi32, #tpu.memory_space<vmem>>, vector<16xi32>,
      %reduce_max3A_124 = arith.constant true
      %reduce_max3A_125 = vector.broadcast %reduce_max3A_124 : i1 to vector<16xi1>
      %reduce_max3A_126 = arith.constant -2147483648 : i32
      %reduce_max3A_127 = vector.broadcast %reduce_max3A_126 : i32 to vector<16xi32>
      %reduce_max3A_128 = arith.xori %get3A_123, %reduce_max3A_127 : vector<16xi32>
      %reduce_max3A_129 = tpu.scan <max>, %reduce_max3A_128 masked %reduce_max3A_125 : vector<16xi32>, vector<16xi1> -> vector<16xi32>
      %reduce_max3A_130 = arith.xori %reduce_max3A_129, %reduce_max3A_127 : vector<16xi32>
      %reduce_max3A_131 = vector.extract %reduce_max3A_130[15] : i32 from vector<16xi32>
      %eq3A_132 = arith.constant 2 : i32
      %eq3A_133 = vector.broadcast %eq3A_132 : i32 to vector<16xi32>
      %eq3A_134 = arith.cmpi eq, %iota3A, %eq3A_133 : vector<16xi32>
      %broadcast_in_dim3A_135 = vector.broadcast %reduce_max3A_131 : i32 to vector<16xi32>
      %select_n3A_136 = arith.select %eq3A_134, %broadcast_in_dim3A_135, %select_n3A_121 : vector<16xi1>, vector<16xi32>
      %get3A_137 = arith.constant 48 : index
      %get3A_138 = tpu.vector_load %arg8[%get3A_137] {strides = array<i32>} : memref<256xi32, #tpu.memory_space<vmem>>, vector<16xi32>,
      %reduce_max3A_139 = arith.constant true
      %reduce_max3A_140 = vector.broadcast %reduce_max3A_139 : i1 to vector<16xi1>
      %reduce_max3A_141 = arith.constant -2147483648 : i32
      %reduce_max3A_142 = vector.broadcast %reduce_max3A_141 : i32 to vector<16xi32>
      %reduce_max3A_143 = arith.xori %get3A_138, %reduce_max3A_142 : vector<16xi32>
      %reduce_max3A_144 = tpu.scan <max>, %reduce_max3A_143 masked %reduce_max3A_140 : vector<16xi32>, vector<16xi1> -> vector<16xi32>
      %reduce_max3A_145 = arith.xori %reduce_max3A_144, %reduce_max3A_142 : vector<16xi32>
      %reduce_max3A_146 = vector.extract %reduce_max3A_145[15] : i32 from vector<16xi32>
      %eq3A_147 = arith.constant 3 : i32
      %eq3A_148 = vector.broadcast %eq3A_147 : i32 to vector<16xi32>
      %eq3A_149 = arith.cmpi eq, %iota3A, %eq3A_148 : vector<16xi32>
      %broadcast_in_dim3A_150 = vector.broadcast %reduce_max3A_146 : i32 to vector<16xi32>
      %select_n3A_151 = arith.select %eq3A_149, %broadcast_in_dim3A_150, %select_n3A_136 : vector<16xi1>, vector<16xi32>
      %get3A_152 = arith.constant 64 : index
      %get3A_153 = tpu.vector_load %arg8[%get3A_152] {strides = array<i32>} : memref<256xi32, #tpu.memory_space<vmem>>, vector<16xi32>,
      %reduce_max3A_154 = arith.constant true
      %reduce_max3A_155 = vector.broadcast %reduce_max3A_154 : i1 to vector<16xi1>
      %reduce_max3A_156 = arith.constant -2147483648 : i32
      %reduce_max3A_157 = vector.broadcast %reduce_max3A_156 : i32 to vector<16xi32>
      %reduce_max3A_158 = arith.xori %get3A_153, %reduce_max3A_157 : vector<16xi32>
      %reduce_max3A_159 = tpu.scan <max>, %reduce_max3A_158 masked %reduce_max3A_155 : vector<16xi32>, vector<16xi1> -> vector<16xi32>
      %reduce_max3A_160 = arith.xori %reduce_max3A_159, %reduce_max3A_157 : vector<16xi32>
      %reduce_max3A_161 = vector.extract %reduce_max3A_160[15] : i32 from vector<16xi32>
      %eq3A_162 = arith.constant 4 : i32
      %eq3A_163 = vector.broadcast %eq3A_162 : i32 to vector<16xi32>
      %eq3A_164 = arith.cmpi eq, %iota3A, %eq3A_163 : vector<16xi32>
      %broadcast_in_dim3A_165 = vector.broadcast %reduce_max3A_161 : i32 to vector<16xi32>
      %select_n3A_166 = arith.select %eq3A_164, %broadcast_in_dim3A_165, %select_n3A_151 : vector<16xi1>, vector<16xi32>
      %get3A_167 = arith.constant 80 : index
      %get3A_168 = tpu.vector_load %arg8[%get3A_167] {strides = array<i32>} : memref<256xi32, #tpu.memory_space<vmem>>, vector<16xi32>,
      %reduce_max3A_169 = arith.constant true
      %reduce_max3A_170 = vector.broadcast %reduce_max3A_169 : i1 to vector<16xi1>
      %reduce_max3A_171 = arith.constant -2147483648 : i32
      %reduce_max3A_172 = vector.broadcast %reduce_max3A_171 : i32 to vector<16xi32>
      %reduce_max3A_173 = arith.xori %get3A_168, %reduce_max3A_172 : vector<16xi32>
      %reduce_max3A_174 = tpu.scan <max>, %reduce_max3A_173 masked %reduce_max3A_170 : vector<16xi32>, vector<16xi1> -> vector<16xi32>
      %reduce_max3A_175 = arith.xori %reduce_max3A_174, %reduce_max3A_172 : vector<16xi32>
      %reduce_max3A_176 = vector.extract %reduce_max3A_175[15] : i32 from vector<16xi32>
      %eq3A_177 = arith.constant 5 : i32
      %eq3A_178 = vector.broadcast %eq3A_177 : i32 to vector<16xi32>
      %eq3A_179 = arith.cmpi eq, %iota3A, %eq3A_178 : vector<16xi32>
      %broadcast_in_dim3A_180 = vector.broadcast %reduce_max3A_176 : i32 to vector<16xi32>
      %select_n3A_181 = arith.select %eq3A_179, %broadcast_in_dim3A_180, %select_n3A_166 : vector<16xi1>, vector<16xi32>
      %get3A_182 = arith.constant 96 : index
      %get3A_183 = tpu.vector_load %arg8[%get3A_182] {strides = array<i32>} : memref<256xi32, #tpu.memory_space<vmem>>, vector<16xi32>,
      %reduce_max3A_184 = arith.constant true
      %reduce_max3A_185 = vector.broadcast %reduce_max3A_184 : i1 to vector<16xi1>
      %reduce_max3A_186 = arith.constant -2147483648 : i32
      %reduce_max3A_187 = vector.broadcast %reduce_max3A_186 : i32 to vector<16xi32>
      %reduce_max3A_188 = arith.xori %get3A_183, %reduce_max3A_187 : vector<16xi32>
      %reduce_max3A_189 = tpu.scan <max>, %reduce_max3A_188 masked %reduce_max3A_185 : vector<16xi32>, vector<16xi1> -> vector<16xi32>
      %reduce_max3A_190 = arith.xori %reduce_max3A_189, %reduce_max3A_187 : vector<16xi32>
      %reduce_max3A_191 = vector.extract %reduce_max3A_190[15] : i32 from vector<16xi32>
      %eq3A_192 = arith.constant 6 : i32
      %eq3A_193 = vector.broadcast %eq3A_192 : i32 to vector<16xi32>
      %eq3A_194 = arith.cmpi eq, %iota3A, %eq3A_193 : vector<16xi32>
      %broadcast_in_dim3A_195 = vector.broadcast %reduce_max3A_191 : i32 to vector<16xi32>
      %select_n3A_196 = arith.select %eq3A_194, %broadcast_in_dim3A_195, %select_n3A_181 : vector<16xi1>, vector<16xi32>
      %get3A_197 = arith.constant 112 : index
      %get3A_198 = tpu.vector_load %arg8[%get3A_197] {strides = array<i32>} : memref<256xi32, #tpu.memory_space<vmem>>, vector<16xi32>,
      %reduce_max3A_199 = arith.constant true
      %reduce_max3A_200 = vector.broadcast %reduce_max3A_199 : i1 to vector<16xi1>
      %reduce_max3A_201 = arith.constant -2147483648 : i32
      %reduce_max3A_202 = vector.broadcast %reduce_max3A_201 : i32 to vector<16xi32>
      %reduce_max3A_203 = arith.xori %get3A_198, %reduce_max3A_202 : vector<16xi32>
      %reduce_max3A_204 = tpu.scan <max>, %reduce_max3A_203 masked %reduce_max3A_200 : vector<16xi32>, vector<16xi1> -> vector<16xi32>
      %reduce_max3A_205 = arith.xori %reduce_max3A_204, %reduce_max3A_202 : vector<16xi32>
      %reduce_max3A_206 = vector.extract %reduce_max3A_205[15] : i32 from vector<16xi32>
      %eq3A_207 = arith.constant 7 : i32
      %eq3A_208 = vector.broadcast %eq3A_207 : i32 to vector<16xi32>
      %eq3A_209 = arith.cmpi eq, %iota3A, %eq3A_208 : vector<16xi32>
      %broadcast_in_dim3A_210 = vector.broadcast %reduce_max3A_206 : i32 to vector<16xi32>
      %select_n3A_211 = arith.select %eq3A_209, %broadcast_in_dim3A_210, %select_n3A_196 : vector<16xi1>, vector<16xi32>
      %get3A_212 = arith.constant 128 : index
      %get3A_213 = tpu.vector_load %arg8[%get3A_212] {strides = array<i32>} : memref<256xi32, #tpu.memory_space<vmem>>, vector<16xi32>,
      %reduce_max3A_214 = arith.constant true
      %reduce_max3A_215 = vector.broadcast %reduce_max3A_214 : i1 to vector<16xi1>
      %reduce_max3A_216 = arith.constant -2147483648 : i32
      %reduce_max3A_217 = vector.broadcast %reduce_max3A_216 : i32 to vector<16xi32>
      %reduce_max3A_218 = arith.xori %get3A_213, %reduce_max3A_217 : vector<16xi32>
      %reduce_max3A_219 = tpu.scan <max>, %reduce_max3A_218 masked %reduce_max3A_215 : vector<16xi32>, vector<16xi1> -> vector<16xi32>
      %reduce_max3A_220 = arith.xori %reduce_max3A_219, %reduce_max3A_217 : vector<16xi32>
      %reduce_max3A_221 = vector.extract %reduce_max3A_220[15] : i32 from vector<16xi32>
      %eq3A_222 = arith.constant 8 : i32
      %eq3A_223 = vector.broadcast %eq3A_222 : i32 to vector<16xi32>
      %eq3A_224 = arith.cmpi eq, %iota3A, %eq3A_223 : vector<16xi32>
      %broadcast_in_dim3A_225 = vector.broadcast %reduce_max3A_221 : i32 to vector<16xi32>
      %select_n3A_226 = arith.select %eq3A_224, %broadcast_in_dim3A_225, %select_n3A_211 : vector<16xi1>, vector<16xi32>
      %get3A_227 = arith.constant 144 : index
      %get3A_228 = tpu.vector_load %arg8[%get3A_227] {strides = array<i32>} : memref<256xi32, #tpu.memory_space<vmem>>, vector<16xi32>,
      %reduce_max3A_229 = arith.constant true
      %reduce_max3A_230 = vector.broadcast %reduce_max3A_229 : i1 to vector<16xi1>
      %reduce_max3A_231 = arith.constant -2147483648 : i32
      %reduce_max3A_232 = vector.broadcast %reduce_max3A_231 : i32 to vector<16xi32>
      %reduce_max3A_233 = arith.xori %get3A_228, %reduce_max3A_232 : vector<16xi32>
      %reduce_max3A_234 = tpu.scan <max>, %reduce_max3A_233 masked %reduce_max3A_230 : vector<16xi32>, vector<16xi1> -> vector<16xi32>
      %reduce_max3A_235 = arith.xori %reduce_max3A_234, %reduce_max3A_232 : vector<16xi32>
      %reduce_max3A_236 = vector.extract %reduce_max3A_235[15] : i32 from vector<16xi32>
      %eq3A_237 = arith.constant 9 : i32
      %eq3A_238 = vector.broadcast %eq3A_237 : i32 to vector<16xi32>
      %eq3A_239 = arith.cmpi eq, %iota3A, %eq3A_238 : vector<16xi32>
      %broadcast_in_dim3A_240 = vector.broadcast %reduce_max3A_236 : i32 to vector<16xi32>
      %select_n3A_241 = arith.select %eq3A_239, %broadcast_in_dim3A_240, %select_n3A_226 : vector<16xi1>, vector<16xi32>
      %get3A_242 = arith.constant 160 : index
      %get3A_243 = tpu.vector_load %arg8[%get3A_242] {strides = array<i32>} : memref<256xi32, #tpu.memory_space<vmem>>, vector<16xi32>,
      %reduce_max3A_244 = arith.constant true
      %reduce_max3A_245 = vector.broadcast %reduce_max3A_244 : i1 to vector<16xi1>
      %reduce_max3A_246 = arith.constant -2147483648 : i32
      %reduce_max3A_247 = vector.broadcast %reduce_max3A_246 : i32 to vector<16xi32>
      %reduce_max3A_248 = arith.xori %get3A_243, %reduce_max3A_247 : vector<16xi32>
      %reduce_max3A_249 = tpu.scan <max>, %reduce_max3A_248 masked %reduce_max3A_245 : vector<16xi32>, vector<16xi1> -> vector<16xi32>
      %reduce_max3A_250 = arith.xori %reduce_max3A_249, %reduce_max3A_247 : vector<16xi32>
      %reduce_max3A_251 = vector.extract %reduce_max3A_250[15] : i32 from vector<16xi32>
      %eq3A_252 = arith.constant 10 : i32
      %eq3A_253 = vector.broadcast %eq3A_252 : i32 to vector<16xi32>
      %eq3A_254 = arith.cmpi eq, %iota3A, %eq3A_253 : vector<16xi32>
      %broadcast_in_dim3A_255 = vector.broadcast %reduce_max3A_251 : i32 to vector<16xi32>
      %select_n3A_256 = arith.select %eq3A_254, %broadcast_in_dim3A_255, %select_n3A_241 : vector<16xi1>, vector<16xi32>
      %get3A_257 = arith.constant 176 : index
      %get3A_258 = tpu.vector_load %arg8[%get3A_257] {strides = array<i32>} : memref<256xi32, #tpu.memory_space<vmem>>, vector<16xi32>,
      %reduce_max3A_259 = arith.constant true
      %reduce_max3A_260 = vector.broadcast %reduce_max3A_259 : i1 to vector<16xi1>
      %reduce_max3A_261 = arith.constant -2147483648 : i32
      %reduce_max3A_262 = vector.broadcast %reduce_max3A_261 : i32 to vector<16xi32>
      %reduce_max3A_263 = arith.xori %get3A_258, %reduce_max3A_262 : vector<16xi32>
      %reduce_max3A_264 = tpu.scan <max>, %reduce_max3A_263 masked %reduce_max3A_260 : vector<16xi32>, vector<16xi1> -> vector<16xi32>
      %reduce_max3A_265 = arith.xori %reduce_max3A_264, %reduce_max3A_262 : vector<16xi32>
      %reduce_max3A_266 = vector.extract %reduce_max3A_265[15] : i32 from vector<16xi32>
      %eq3A_267 = arith.constant 11 : i32
      %eq3A_268 = vector.broadcast %eq3A_267 : i32 to vector<16xi32>
      %eq3A_269 = arith.cmpi eq, %iota3A, %eq3A_268 : vector<16xi32>
      %broadcast_in_dim3A_270 = vector.broadcast %reduce_max3A_266 : i32 to vector<16xi32>
      %select_n3A_271 = arith.select %eq3A_269, %broadcast_in_dim3A_270, %select_n3A_256 : vector<16xi1>, vector<16xi32>
      %get3A_272 = arith.constant 192 : index
      %get3A_273 = tpu.vector_load %arg8[%get3A_272] {strides = array<i32>} : memref<256xi32, #tpu.memory_space<vmem>>, vector<16xi32>,
      %reduce_max3A_274 = arith.constant true
      %reduce_max3A_275 = vector.broadcast %reduce_max3A_274 : i1 to vector<16xi1>
      %reduce_max3A_276 = arith.constant -2147483648 : i32
      %reduce_max3A_277 = vector.broadcast %reduce_max3A_276 : i32 to vector<16xi32>
      %reduce_max3A_278 = arith.xori %get3A_273, %reduce_max3A_277 : vector<16xi32>
      %reduce_max3A_279 = tpu.scan <max>, %reduce_max3A_278 masked %reduce_max3A_275 : vector<16xi32>, vector<16xi1> -> vector<16xi32>
      %reduce_max3A_280 = arith.xori %reduce_max3A_279, %reduce_max3A_277 : vector<16xi32>
      %reduce_max3A_281 = vector.extract %reduce_max3A_280[15] : i32 from vector<16xi32>
      %eq3A_282 = arith.constant 12 : i32
      %eq3A_283 = vector.broadcast %eq3A_282 : i32 to vector<16xi32>
      %eq3A_284 = arith.cmpi eq, %iota3A, %eq3A_283 : vector<16xi32>
      %broadcast_in_dim3A_285 = vector.broadcast %reduce_max3A_281 : i32 to vector<16xi32>
      %select_n3A_286 = arith.select %eq3A_284, %broadcast_in_dim3A_285, %select_n3A_271 : vector<16xi1>, vector<16xi32>
      %get3A_287 = arith.constant 208 : index
      %get3A_288 = tpu.vector_load %arg8[%get3A_287] {strides = array<i32>} : memref<256xi32, #tpu.memory_space<vmem>>, vector<16xi32>,
      %reduce_max3A_289 = arith.constant true
      %reduce_max3A_290 = vector.broadcast %reduce_max3A_289 : i1 to vector<16xi1>
      %reduce_max3A_291 = arith.constant -2147483648 : i32
      %reduce_max3A_292 = vector.broadcast %reduce_max3A_291 : i32 to vector<16xi32>
      %reduce_max3A_293 = arith.xori %get3A_288, %reduce_max3A_292 : vector<16xi32>
      %reduce_max3A_294 = tpu.scan <max>, %reduce_max3A_293 masked %reduce_max3A_290 : vector<16xi32>, vector<16xi1> -> vector<16xi32>
      %reduce_max3A_295 = arith.xori %reduce_max3A_294, %reduce_max3A_292 : vector<16xi32>
      %reduce_max3A_296 = vector.extract %reduce_max3A_295[15] : i32 from vector<16xi32>
      %eq3A_297 = arith.constant 13 : i32
      %eq3A_298 = vector.broadcast %eq3A_297 : i32 to vector<16xi32>
      %eq3A_299 = arith.cmpi eq, %iota3A, %eq3A_298 : vector<16xi32>
      %broadcast_in_dim3A_300 = vector.broadcast %reduce_max3A_296 : i32 to vector<16xi32>
      %select_n3A_301 = arith.select %eq3A_299, %broadcast_in_dim3A_300, %select_n3A_286 : vector<16xi1>, vector<16xi32>
      %get3A_302 = arith.constant 224 : index
      %get3A_303 = tpu.vector_load %arg8[%get3A_302] {strides = array<i32>} : memref<256xi32, #tpu.memory_space<vmem>>, vector<16xi32>,
      %reduce_max3A_304 = arith.constant true
      %reduce_max3A_305 = vector.broadcast %reduce_max3A_304 : i1 to vector<16xi1>
      %reduce_max3A_306 = arith.constant -2147483648 : i32
      %reduce_max3A_307 = vector.broadcast %reduce_max3A_306 : i32 to vector<16xi32>
      %reduce_max3A_308 = arith.xori %get3A_303, %reduce_max3A_307 : vector<16xi32>
      %reduce_max3A_309 = tpu.scan <max>, %reduce_max3A_308 masked %reduce_max3A_305 : vector<16xi32>, vector<16xi1> -> vector<16xi32>
      %reduce_max3A_310 = arith.xori %reduce_max3A_309, %reduce_max3A_307 : vector<16xi32>
      %reduce_max3A_311 = vector.extract %reduce_max3A_310[15] : i32 from vector<16xi32>
      %eq3A_312 = arith.constant 14 : i32
      %eq3A_313 = vector.broadcast %eq3A_312 : i32 to vector<16xi32>
      %eq3A_314 = arith.cmpi eq, %iota3A, %eq3A_313 : vector<16xi32>
      %broadcast_in_dim3A_315 = vector.broadcast %reduce_max3A_311 : i32 to vector<16xi32>
      %select_n3A_316 = arith.select %eq3A_314, %broadcast_in_dim3A_315, %select_n3A_301 : vector<16xi1>, vector<16xi32>
      %get3A_317 = arith.constant 240 : index
      %get3A_318 = tpu.vector_load %arg8[%get3A_317] {strides = array<i32>} : memref<256xi32, #tpu.memory_space<vmem>>, vector<16xi32>,
      %reduce_max3A_319 = arith.constant true
      %reduce_max3A_320 = vector.broadcast %reduce_max3A_319 : i1 to vector<16xi1>
      %reduce_max3A_321 = arith.constant -2147483648 : i32
      %reduce_max3A_322 = vector.broadcast %reduce_max3A_321 : i32 to vector<16xi32>
      %reduce_max3A_323 = arith.xori %get3A_318, %reduce_max3A_322 : vector<16xi32>
      %reduce_max3A_324 = tpu.scan <max>, %reduce_max3A_323 masked %reduce_max3A_320 : vector<16xi32>, vector<16xi1> -> vector<16xi32>
      %reduce_max3A_325 = arith.xori %reduce_max3A_324, %reduce_max3A_322 : vector<16xi32>
      %reduce_max3A_326 = vector.extract %reduce_max3A_325[15] : i32 from vector<16xi32>
      %eq3A_327 = arith.constant 15 : i32
      %eq3A_328 = vector.broadcast %eq3A_327 : i32 to vector<16xi32>
      %eq3A_329 = arith.cmpi eq, %iota3A, %eq3A_328 : vector<16xi32>
      %broadcast_in_dim3A_330 = vector.broadcast %reduce_max3A_326 : i32 to vector<16xi32>
      %select_n3A_331 = arith.select %eq3A_329, %broadcast_in_dim3A_330, %select_n3A_316 : vector<16xi1>, vector<16xi32>
      %lt3A = arith.constant 4 : i32
      %lt3A_332 = vector.broadcast %lt3A : i32 to vector<16xi32>
      %lt3A_333 = arith.cmpi slt, %iota3A, %lt3A_332 : vector<16xi32>
      %min3A = arith.constant 4 : i32
      %min3A_334 = vector.broadcast %min3A : i32 to vector<16xi32>
      %min3A_335 = arith.minsi %iota3A, %min3A_334 : vector<16xi32>
      %min3A_336 = arith.constant 3 : i32
      %min3A_337 = vector.broadcast %min3A_336 : i32 to vector<16xi32>
      %min3A_338 = arith.minsi %iota3A, %min3A_337 : vector<16xi32>
      %scan3A_339 = arith.constant 0.000000e+00 : f32
      %scan3A_340 = arith.constant 0 : i32
      %scan3A_341 = arith.constant 100 : i32
      %scan3A_342 = arith.addi %scan3A_340, %scan3A_341 : i32
      %scan3A_343 = arith.constant 1 : i32
      %scan3A_344:2 = scf.for %scan3A_350 = %scan3A_340 to %scan3A_342 step %scan3A_343 iter_args(%scan3A_351 = %scan3A_339, %scan3A_352 = %select_n3A_331) -> (f32, vector<16xi32>)  : i32 {
        %reduce_max3A_353 = arith.constant true
        %reduce_max3A_354 = vector.broadcast %reduce_max3A_353 : i1 to vector<16xi1>
        %reduce_max3A_355 = arith.constant -2147483648 : i32
        %reduce_max3A_356 = vector.broadcast %reduce_max3A_355 : i32 to vector<16xi32>
        %reduce_max3A_357 = arith.xori %scan3A_352, %reduce_max3A_356 : vector<16xi32>
        %reduce_max3A_358 = tpu.scan <max>, %reduce_max3A_357 masked %reduce_max3A_354 : vector<16xi32>, vector<16xi1> -> vector<16xi32>
        %reduce_max3A_359 = arith.xori %reduce_max3A_358, %reduce_max3A_356 : vector<16xi32>
        %reduce_max3A_360 = vector.extract %reduce_max3A_359[15] : i32 from vector<16xi32>
        %eq3A_361 = vector.broadcast %reduce_max3A_360 : i32 to vector<16xi32>
        %eq3A_362 = arith.cmpi eq, %scan3A_352, %eq3A_361 : vector<16xi32>
        %all_reduce_ffs3A_363 = tpu.all_reduce %eq3A_362 {dim = 0 : i64, kind = #tpu.reduction_kind<find_first_set>} : vector<16xi1> -> vector<16xi32>
        %slice3A_364 = vector.extract_strided_slice %all_reduce_ffs3A_363 {offsets = [0], sizes = [1], strides = [1]} : vector<16xi32> to vector<1xi32>
        %squeeze3A_365 = vector.extract %slice3A_364[0] : i32 from vector<1xi32>
        %mul3A_366 = arith.constant 16 : i32
        %mul3A_367 = arith.muli %squeeze3A_365, %mul3A_366 : i32
        %get3A_368 = arith.index_cast %mul3A_367 : i32 to index
        %get3A_369 = tpu.vector_load %arg8[%get3A_368] {strides = array<i32>} : memref<256xi32, #tpu.memory_space<vmem>>, vector<16xi32>,
        %eq3A_370 = vector.broadcast %reduce_max3A_360 : i32 to vector<16xi32>
        %eq3A_371 = arith.cmpi eq, %get3A_369, %eq3A_370 : vector<16xi32>
        %all_reduce_ffs3A_372 = tpu.all_reduce %eq3A_371 {dim = 0 : i64, kind = #tpu.reduction_kind<find_first_set>} : vector<16xi1> -> vector<16xi32>
        %slice3A_373 = vector.extract_strided_slice %all_reduce_ffs3A_372 {offsets = [0], sizes = [1], strides = [1]} : vector<16xi32> to vector<1xi32>
        %squeeze3A_374 = vector.extract %slice3A_373[0] : i32 from vector<1xi32>
        %mul3A_375 = arith.constant 16 : i32
        %mul3A_376 = arith.muli %squeeze3A_365, %mul3A_375 : i32
        %add3A_377 = arith.addi %mul3A_376, %squeeze3A_374 : i32
        %broadcast_in_dim3A_378 = vector.broadcast %add3A_377 : i32 to vector<16xi32>
        %gather3A = tpu.vector_load_idx %arg9[%broadcast_in_dim3A_378] : memref<256xi32, #tpu.memory_space<vmem>>[vector<16xi32>], vector<16xi32>,
        %mul3A_379 = arith.constant 5 : i32
        %mul3A_380 = vector.broadcast %mul3A_379 : i32 to vector<16xi32>
        %mul3A_381 = arith.muli %gather3A, %mul3A_380 : vector<16xi32>
        %add3A_382 = arith.addi %mul3A_381, %min3A_335 : vector<16xi32>
        %gather3A_383 = tpu.vector_load_idx %arg5[%add3A_382] : memref<100000xf32, #tpu.memory_space<vmem>>[vector<16xi32>], vector<16xf32>,
        %mul3A_384 = arith.constant 4 : i32
        %mul3A_385 = arith.muli %scan3A_350, %mul3A_384 : i32
        %add3A_386 = vector.broadcast %mul3A_385 : i32 to vector<16xi32>
        %add3A_387 = arith.addi %add3A_386, %min3A_338 : vector<16xi32>
        %gather3A_388 = tpu.vector_load_idx %arg10[%add3A_387] : memref<400xf32, #tpu.memory_space<vmem>>[vector<16xi32>], vector<16xf32>,
        %sub3A_389 = arith.subf %gather3A_383, %gather3A_388 : vector<16xf32>
        %mul3A_390 = arith.mulf %sub3A_389, %sub3A_389 : vector<16xf32>
        %jit3A = arith.constant 0.000000e+00 : f32
        %broadcast_in_dim3A_391 = vector.broadcast %jit3A : f32 to vector<16xf32>
        %select_n3A_392 = arith.select %lt3A_333, %mul3A_390, %broadcast_in_dim3A_391 : vector<16xi1>, vector<16xf32>
        %reduce_sum3A = arith.constant true
        %reduce_sum3A_393 = vector.broadcast %reduce_sum3A : i1 to vector<16xi1>
        %reduce_sum3A_394 = tpu.scan <sum>, %select_n3A_392 masked %reduce_sum3A_393 : vector<16xf32>, vector<16xi1> -> vector<16xf32>
        %reduce_sum3A_395 = vector.extract %reduce_sum3A_394[15] : f32 from vector<16xf32>
        %add3A_396 = arith.addf %scan3A_351, %reduce_sum3A_395 : f32
        %eq3A_397 = vector.broadcast %squeeze3A_374 : i32 to vector<16xi32>
        %eq3A_398 = arith.cmpi eq, %iota3A, %eq3A_397 : vector<16xi32>
        %select_n3A_399 = arith.select %eq3A_398, %broadcast_in_dim3A_4, %get3A_369 : vector<16xi1>, vector<16xi32>
        %mul3A_400 = arith.constant 16 : i32
        %mul3A_401 = arith.muli %squeeze3A_365, %mul3A_400 : i32
        %swap3A_402 = arith.index_cast %mul3A_401 : i32 to index
        %swap3A_403 = tpu.vector_load %arg8[%swap3A_402] {strides = array<i32>} : memref<256xi32, #tpu.memory_space<vmem>>, vector<16xi32>,
        tpu.vector_store %arg8[%swap3A_402], %select_n3A_399 {strides = array<i32>} : memref<256xi32, #tpu.memory_space<vmem>>, vector<16xi32>,
        %eq3A_404 = vector.broadcast %squeeze3A_365 : i32 to vector<16xi32>
        %eq3A_405 = arith.cmpi eq, %iota3A, %eq3A_404 : vector<16xi32>
        %reduce_max3A_406 = arith.constant true
        %reduce_max3A_407 = vector.broadcast %reduce_max3A_406 : i1 to vector<16xi1>
        %reduce_max3A_408 = arith.constant -2147483648 : i32
        %reduce_max3A_409 = vector.broadcast %reduce_max3A_408 : i32 to vector<16xi32>
        %reduce_max3A_410 = arith.xori %select_n3A_399, %reduce_max3A_409 : vector<16xi32>
        %reduce_max3A_411 = tpu.scan <max>, %reduce_max3A_410 masked %reduce_max3A_407 : vector<16xi32>, vector<16xi1> -> vector<16xi32>
        %reduce_max3A_412 = arith.xori %reduce_max3A_411, %reduce_max3A_409 : vector<16xi32>
        %reduce_max3A_413 = vector.extract %reduce_max3A_412[15] : i32 from vector<16xi32>
        %broadcast_in_dim3A_414 = vector.broadcast %reduce_max3A_413 : i32 to vector<16xi32>
        %select_n3A_415 = arith.select %eq3A_405, %broadcast_in_dim3A_414, %scan3A_352 : vector<16xi1>, vector<16xi32>
        scf.yield %add3A_396, %select_n3A_415 : f32, vector<16xi32>
      }
      %scan3A_345 = arith.constant 100 : i32
      %eq3A_346 = vector.broadcast %scan3A_14 : i32 to vector<16xi32>
      %eq3A_347 = arith.cmpi eq, %iota3A, %eq3A_346 : vector<16xi32>
      %broadcast_in_dim3A_348 = vector.broadcast %scan3A_344#0 : f32 to vector<16xf32>
      %select_n3A_349 = arith.select %eq3A_347, %broadcast_in_dim3A_348, %scan3A_15 : vector<16xi1>, vector<16xf32>
      scf.yield %select_n3A_349 : vector<16xf32>
    }
    %scan3A_12 = arith.constant 4 : i32
    %swap3A = arith.constant 0 : index
    %swap3A_13 = tpu.vector_load %arg11[%swap3A] {strides = array<i32>} : memref<16xf32, #tpu.memory_space<vmem>>, vector<16xf32>,
    tpu.vector_store %arg11[%swap3A], %scan3A_11 {strides = array<i32>} : memref<16xf32, #tpu.memory_space<vmem>>, vector<16xf32>,
    "tpu.region"() ({
      %run_scoped3A = tpu.sem_alloc : memref<!tpu.dma_semaphore, #tpu.memory_space<semaphore_mem>>
      %dma_start3A = arith.constant 0 : i32
      %dma_start3A_14 = tpu.memref_slice %arg4[%add3A, %dma_start3A] : memref<32x16xf32, #tpu.memory_space<hbm>> -> memref<1x16xf32, #tpu.memory_space<hbm>>
      %dma_start3A_15 = tpu.memref_squeeze %dma_start3A_14 : memref<1x16xf32, #tpu.memory_space<hbm>> -> memref<16xf32, #tpu.memory_space<hbm>>
      %dma_start3A_16 = arith.constant 0 : i32
      %dma_start3A_17 = tpu.memref_slice %arg4[%add3A, %dma_start3A_16] : memref<32x16xf32, #tpu.memory_space<hbm>> -> memref<1x16xf32, #tpu.memory_space<hbm>>
      %dma_start3A_18 = tpu.memref_squeeze %dma_start3A_17 : memref<1x16xf32, #tpu.memory_space<hbm>> -> memref<16xf32, #tpu.memory_space<hbm>>
      tpu.enqueue_dma source(%arg11 : memref<16xf32, #tpu.memory_space<vmem>>) target(%dma_start3A_18 : memref<16xf32, #tpu.memory_space<hbm>>) target_semaphore(%run_scoped3A : memref<!tpu.dma_semaphore, #tpu.memory_space<semaphore_mem>>)
      %dma_wait3A = arith.constant 0 : i32
      %dma_wait3A_19 = tpu.memref_slice %arg4[%add3A, %dma_wait3A] : memref<32x16xf32, #tpu.memory_space<hbm>> -> memref<1x16xf32, #tpu.memory_space<hbm>>
      %dma_wait3A_20 = tpu.memref_squeeze %dma_wait3A_19 : memref<1x16xf32, #tpu.memory_space<hbm>> -> memref<16xf32, #tpu.memory_space<hbm>>
      %dma_wait3A_21 = arith.constant 0 : i32
      %dma_wait3A_22 = tpu.memref_slice %arg4[%add3A, %dma_wait3A_21] : memref<32x16xf32, #tpu.memory_space<hbm>> -> memref<1x16xf32, #tpu.memory_space<hbm>>
      %dma_wait3A_23 = tpu.memref_squeeze %dma_wait3A_22 : memref<1x16xf32, #tpu.memory_space<hbm>> -> memref<16xf32, #tpu.memory_space<hbm>>
      tpu.wait_dma2 semaphore(%run_scoped3A : memref<!tpu.dma_semaphore, #tpu.memory_space<semaphore_mem>>) src(%arg11 : memref<16xf32, #tpu.memory_space<vmem>>) dst(%dma_wait3A_23 : memref<16xf32, #tpu.memory_space<hbm>>)
      tpu.yield
    }) : () -> ()
    return
  }
}

</mosaic_0001>

<sc_bundles>
// kernel: kernel.3.cloned.1.call-start
scs
__scs_entry_jumppad:
0x0: {  	(pc) =	sbr.rel $0x88, $3  }
0x1: {  	(tag) =	ssettag $0x0;
	lr =	simm.s32 $0x1  }
0x2: {  	[smem:$0x3F9F] =	sst lr;
	_ =	strace $0xD0000000  }
0x3: {  	_ = 	snop  }
0x4: {  	_ = 	snop  }
0x5: {  	_ = 	snop  }
0x6: {  	_ = 	snop  }
0x7: {  	_ = 	snop  }
__scs_overlays_trampoline_lowered:
0x8: {  	[smem:$0x3FAE] =	sst s0  }
0x9: {  	[smem:$0x3FAF] =	sst s1  }
0xa: {  	[smem:$0x3FB0] =	sst s2  }
0xb: {  	[smem:$0x3FB1] =	sst s3  }
0xc: {  	[smem:$0x3FB2] =	sst s4  }
0xd: {  	[smem:$0x3FB3] =	sst s5  }
0xe: {  	[smem:$0x3FB4] =	sst s6  }
0xf: {  	[smem:$0x3FB5] =	sst s7  }
0x10: {  	[smem:$0x3FB6] =	sst s8  }
0x11: {  	[smem:$0x3FB7] =	sst s9;
	s0 =	simm.s32 @!p0 $0x0  }
0x12: {  	s1 =	sld [smem:$0x3F9D];
	s0 =	simm.s32 @p0 $0x1  }
0x13: {  	[smem:$0x3FB8] =	sst s0;
	s0 =	simm.s32 @!p1 $0x0  }
0x14: {  	s2 =	sld [smem:$0x3F9C];
	s0 =	simm.s32 @p1 $0x1  }
0x15: {  	[smem:$0x3FB9] =	sst s0;
	s0 =	simm.s32 @!p2 $0x0  }
0x16: {  	s3 =	sld [smem:$0x3FDB];
	s0 =	simm.s32 @p2 $0x1  }
0x17: {  	s4 =	simm.s32 $0x1BF5;
	[smem:$0x3FBB] =	sst s0  }
0x18: {  	s0 =	sld [smem:$0x3F9E];
	_ =	swait.ge [sflag:s4], $0x0  }
0x19: {  	s7 =	sld [smem:$0x3F9F]  }
0x1a: {  	s8 =	sadd.s32 $0xFFFFE003, lr  }
0x1b: {  	s9 =	sadd.s32 $0xFFFFFEF7, lr;
	s5 =	simm.s32 $0xFFFFFFFF;
	p2 =	slt.u32 s8, $0xFFFFF086  }
0x1c: {  	p1 =	slt.u32 s9, $0xF7A;
	s5 =	simm.s32 @!p2 $0x0  }
0x1d: {  	s5 =	simm.s32 @p1 $0x1;
	p0 =	seq.s32 s7, s2  }
0x1e: {  	s7 =	smul.u32 @!p0 $0xF7A, s2;
	p2 =	seq.s32 @!p0 s5, $0x0  }
0x1f: {  	s9 =	smul.u32 $0xF7A, s1;
	s8 =	simm.s32 @!p0 $0x1BF5;
	p2 =	por !p2, p0  }
0x20: {  	[sflag:s8] =	ssyncset.s32 @!p0 $0xFFFFF086;
	s6 =	sadd.s32 @!p0 s3, s7;
	s7 =	simm.s32 @!p0 $0x108  }
0x21: {  	s3 =	sadd.s32 s3, s9;
	s6 =	sadd.s32 @!p0 $0x88, s6;
	s7 =	simm.s32 @p2 $0x1082  }
0x22: {  	[simem:s7], [sflag:s8] =	dma.local @!p0 [hbm:s6], $0xF7A  }
0x23: {  	s9 =	sor.u32 $0xD0000000, s2;
	s6 =	simm.s32 $0x108;
	_ =	swait.ge @!p0 [sflag:s8], $0x0  }
0x24: {  	s3 =	sadd.s32 $0x88, s3;
	s6 =	simm.s32 @!p1 $0x1082;
	[sflag:s4] =	ssyncset.s32 $0xFFFFF086  }
0x25: {  	[simem:s6], [sflag:s4] =	dma.local [hbm:s3], $0xF7A  }
0x26: {  	[smem:$0x3F9F] =	sst s1;
	(tag) =	ssettag s2;
	_ =	strace s9  }
0x27: {  	s1 =	sld [smem:$0x3FAF]  }
0x28: {  	s2 =	sld [smem:$0x3FB0]  }
0x29: {  	s4 =	sld [smem:$0x3FB2]  }
0x2a: {  	p0 =	seq.s32 s5, $0x0;
	s5 =	sld [smem:$0x3FB3]  }
0x2b: {  	s6 =	sld [smem:$0x3FB4]  }
0x2c: {  	s7 =	sld [smem:$0x3FB5]  }
0x2d: {  	s3 =	simm.s32 $0x108;
	s8 =	sld [smem:$0x3FB6]  }
0x2e: {  	s3 =	simm.s32 @!p0 $0x1082;
	s9 =	sld [smem:$0x3FB7]  }
0x2f: {  	lr =	sadd.s32 s0, s3;
	s0 =	sld [smem:$0x3FAE]  }
0x30: {  	s3 =	sld [smem:$0x3FB1]  }
0x31: {  	[smem:$0x3FBA] =	sst s10  }
0x32: {  	s10 =	sld [smem:$0x3FB8];
	_ =	sdelay $0x3  }
0x33: {  	p0 =	seq.s32 s10, $0x1;
	s10 =	sld [smem:$0x3FBA];
	_ =	sdelay $0x3  }
0x34: {  	[smem:$0x3FBA] =	sst s10  }
0x35: {  	s10 =	sld [smem:$0x3FB9];
	_ =	sdelay $0x3  }
0x36: {  	p1 =	seq.s32 s10, $0x1;
	s10 =	sld [smem:$0x3FBA];
	_ =	sdelay $0x3  }
0x37: {  	[smem:$0x3FBA] =	sst s10  }
0x38: {  	s10 =	sld [smem:$0x3FBB]  }
0x39: {  	_ = 	snop;
	(pc) =	sbr.ind lr, $3  }
0x3a: {  	_ = 	snop  }
0x3b: {  	_ = 	snop  }
0x3c: {  	p2 =	seq.s32 s10, $0x1;
	s10 =	sld [smem:$0x3FBA]  }
0x3d: {  	_ =	shalt  }
0x3e: {  	_ =	shalt  }
0x3f: {  	_ =	shalt  }
0x40: {  	_ =	shalt  }
0x41: {  	_ =	shalt  }
0x42: {  	_ =	shalt  }
0x43: {  	_ =	shalt  }
0x44: {  	_ =	shalt  }
0x45: {  	_ =	shalt  }
0x46: {  	_ =	shalt  }
0x47: {  	_ =	shalt  }
0x48: {  	_ =	shalt  }
0x49: {  	_ =	shalt  }
0x4a: {  	_ =	shalt  }
0x4b: {  	_ =	shalt  }
0x4c: {  	_ =	shalt  }
0x4d: {  	_ =	shalt  }
0x4e: {  	_ =	shalt  }
0x4f: {  	_ =	shalt  }
0x50: {  	_ =	shalt  }
0x51: {  	_ =	shalt  }
0x52: {  	_ =	shalt  }
0x53: {  	_ =	shalt  }
0x54: {  	_ =	shalt  }
0x55: {  	_ =	shalt  }
0x56: {  	_ =	shalt  }
0x57: {  	_ =	shalt  }
0x58: {  	_ =	shalt  }
0x59: {  	_ =	shalt  }
0x5a: {  	_ =	shalt  }
0x5b: {  	_ =	shalt  }
0x5c: {  	_ =	shalt  }
0x5d: {  	_ =	shalt  }
0x5e: {  	_ =	shalt  }
0x5f: {  	_ =	shalt  }
0x60: {  	_ =	shalt  }
0x61: {  	_ =	shalt  }
0x62: {  	_ =	shalt  }
0x63: {  	_ =	shalt  }
0x64: {  	_ =	shalt  }
0x65: {  	_ =	shalt  }
0x66: {  	_ =	shalt  }
0x67: {  	_ =	shalt  }
0x68: {  	_ =	shalt  }
0x69: {  	_ =	shalt  }
0x6a: {  	_ =	shalt  }
0x6b: {  	_ =	shalt  }
0x6c: {  	_ =	shalt  }
0x6d: {  	_ =	shalt  }
0x6e: {  	_ =	shalt  }
0x6f: {  	_ =	shalt  }
0x70: {  	_ =	shalt  }
0x71: {  	_ =	shalt  }
0x72: {  	_ =	shalt  }
0x73: {  	_ =	shalt  }
0x74: {  	_ =	shalt  }
0x75: {  	_ =	shalt  }
0x76: {  	_ =	shalt  }
0x77: {  	_ =	shalt  }
0x78: {  	_ =	shalt  }
0x79: {  	_ =	shalt  }
0x7a: {  	_ =	shalt  }
0x7b: {  	_ =	shalt  }
0x7c: {  	_ =	shalt  }
0x7d: {  	_ =	shalt  }
0x7e: {  	_ =	shalt  }
0x7f: {  	_ =	shalt  }
0x80: {  	_ =	shalt  }
0x81: {  	_ =	shalt  }
0x82: {  	_ =	shalt  }
0x83: {  	_ =	shalt  }
0x84: {  	_ =	shalt  }
0x85: {  	_ =	shalt  }
0x86: {  	_ =	shalt  }
0x87: {  	_ =	shalt  }
.Lfunc_end0:
.L_simem_size_0:
called_computation_lowered:
.L_overlay_start_0:
0x88: {  	s2 =	sld [smem:$0x3FD9]  }
0x89: {  	s3 =	sld [smem:$0x3FFE];
	_ =	sdelay $0x1  }
0x8a: {  	s1 =	srdreg.scid  }
0x8b: {  	s0 =	sand.u32 $0x1, s1  }
0x8c: {  	s16 =	sshll.u32 s0, $0xA;
	s2 =	sadd.s32 s3, s2  }
0x8d: {  	s2 =	sadd.s32 s2, s16  }
0x8e: {  	[smem:$0x3FC6] =	sst s2  }
0x8f: {  	_ = 	snop  }
0x90: {  	(tm) =	ssettm $0x1  }
0x91: {  	s17 =	sld [smem:$0x3FFB];
	_ =	sdelay $0x3  }
0x92: {  	_ =	strace s17  }
0x93: {  	s2 =	sld [smem:$0x3FFC];
	_ =	sdelay $0x3  }
0x94: {  	_ =	strace s2  }
0x95: {  	s2 =	sld [smem:$0x3FFD];
	_ =	sdelay $0x3  }
0x96: {  	_ =	strace s2  }
0x97: {  	_ =	strace $0x8FFFFFFF  }
0x98: {  	s18 =	sld [smem:$0x3FDB];
	_ =	sdelay $0x1  }
0x99: {  	s19 =	simm.s32 $_scs_section_size  }
0x9a: {  	s4 =	simm.s32 $_size__tile_overlayer_lowered;
	s5 =	simm.s32 $_tile_overlayer_lowered  }
0x9b: {  	s22 =	simm.s32 $0x1BFF;
	s21 =	sshll.u32 s5, $0x1;
	s2 =	sadd.s32 s19, s18  }
0x9c: {  	s6 =	simm.s32 $0x0;
	s20 =	sshll.u32 s4, $0x1;
	s4 =	sadd.s32 s21, s2  }
0x9d: {  	[timem:s6], [sflag:s22] =	dma.local [hbm:s4], s20  }
0x9e: {  	_ =	swait.ge [sflag:s22], s20  }
0x9f: {  	s3 =	ssub.s32 $0x0, s20;
	[sflag:s22] =	ssyncset.done $0x0  }
0xa0: {  	[sflag:s22] =	ssyncadd.s32 s3;
	_ =	sdelay $0x1  }
0xa1: {  	s23 =	simm.s32 $0x1B8B  }
0xa2: {  	_ =	swait.ge [sflag:s23], $0x1  }
0xa3: {  	[sflag:s23] =	ssyncset.done $0x0  }
0xa4: {  	s25 =	simm.s32 $0x1B8E;
	s24 =	sld [smem:$0x3FFE];
	[sflag:s23] =	ssyncadd.s32 $0xFFFFFFFF  }
0xa5: {  	s26 =	simm.s32 $execute0_lowered;
	[smem:$0x3FD2] =	sst s25  }
0xa6: {  	s4 =	sshll.u32 s26, $0x1;
	_ =	strace $0x80000046;
	[dreg:$0x1] =	wrdreg $0xFFFFFFFF  }
0xa7: {  	s28 =	simm.s32 $_size_execute0_lowered;
	s2 =	sadd.s32 s2, s4;
	[dreg:$0x0] =	wrdreg $0x0  }
0xa8: {  	s4 =	sshll.u32 s28, $0x1;
	[dreg:$0x2] =	wrdreg s2  }
0xa9: {  	[dreg:$0x3] =	wrdreg s4  }
0xaa: {  	[dreg:$0x4] =	wrdreg $0xC0  }
0xab: {  	_ =	task [dreg:s6], $0x5FFFF  }
0xac: {  	[dreg:$0x1] =	wrdreg $0xFFFFFFFF  }
0xad: {  	[dreg:$0x0] =	wrdreg $0x60  }
0xae: {  	[dreg:$0x2] =	wrdreg s24  }
0xaf: {  	[dreg:$0x3] =	wrdreg $0x9  }
0xb0: {  	_ =	task.clear_ibuf [dreg:s6], $0x4FFFF;
	_ =	strace $0x90000046  }
0xb1: {  	s29 =	simm.s32 $0x9;
	_ =	strace $0x80000048  }
0xb2: {  	_ =	swait.ge [sflag:s29], $0x1  }
0xb3: {  	[sflag:s29] =	ssyncadd.s32 $0xFFFFFFFF  }
0xb4: {  	_ =	strace $0x90000048  }
0xb5: {  	_ =	sfence  }
0xb6: {  	s30 =	sld [smem:$0x0];
	_ =	sdelay $0x2  }
0xb7: {  	s31 =	sshll.u32 s1, $0xD;
	s1 =	sshrl.u32 s1, $0x2  }
0xb8: {  	s3 =	sand.u32 $0x4000, s31;
	s1 =	sadd.s32 s1, s30  }
0xb9: {  	s0 =	sor.u32 s3, s0;
	s1 =	sshll.u32 s1, $0x11  }
0xba: {  	s0 =	sor.u32 s1, s0  }
0xbb: {  	s0 =	sadd.s32 $0x8F2B, s0  }
0xbc: {  	[sflag:s0] =	ssyncadd.remote.s32 $0x1  }
0xbd: {  	_ =	sfence.sel $0xFFFF  }
0xbe: {  	[dreg:$0x0] =	wrdreg $0xFFFFFFFF;
	(pc) =	sbr.abs _section_cstart, $3  }
0xbf: {  	[dreg:$0x1] =	wrdreg $0xFFFFFFFF  }
0xc0: {  	_ =	task.clear_ibuf [dreg:s6], $0x2FFFF;
	_ =	strace $0x9FFFFFFF  }
0xc1: {  	(tm) =	ssettm $0x7FFFFFFF  }
tec
execute0_lowered:
.L_overlay_start_1:
0x0: {  	(tag) =	ssettag $0x1  }
0x1: {  	s0 =	rddreg [dreg:$0x0];
	s1 =	simm.s32 $0x0;
	v0 =	vlaneseq.u32;
	s2 =	srdreg.scid  }
0x2: {  	v1 =	vimm.s32 $0x0;
	v2 =	vimm.s32 $0x80000000;
	v4 =	vimm.s32 $0x1;
	s7 =	stileid.u32;
	s11 =	simm.s32 $0x400;
	s12 =	simm.s32 $0x1  }
0x3: {  	vm1 =	vcmask $0x704;
	vm2 =	vcmask $0xB08;
	vm3 =	vcmask $0xF0C;
	s13 =	simm.s32 $0x1E780;
	s14 =	simm.s32 $0x1D580;
	s15 =	simm.s32 $0x1E680  }
0x4: {  	vm4 =	vcmask $0x1310;
	vm5 =	vcmask $0x1714;
	vm6 =	vcmask $0x1B18;
	s17 =	simm.s32 $0x0;
	[smem:$0x7FF] =	sst s1;
	s4 =	sand.u32 $0x1, s2  }
0x5: {  	vm7 =	vcmask $0x1F1C;
	vm8 =	vcmask $0x2320;
	vm9 =	vcmask $0x2724;
	s2 =	sadd.s32 $0x200, s0;
	s3 =	sadd.s32 $0x187200, s0;
	s5 =	sshll.u32 s4, $0x4  }
0x6: {  	vm10 =	vcmask $0x2B28;
	v6 =	vimm.s32 $0x3020100;
	vm11 =	vcmask $0x2F2C;
	s10 =	sshll.u32 s7, $0x5;
	s8 =	ssub.s32 $0x2, s4;
	s0 =	sadd.s32 s5, s0  }
0x7: {  	vm12 =	vcmask $0x3330;
	vm13 =	vcmask $0x3734;
	v3 =	vmul.u32 $0x5, v0;
	_ =	strace $0x80000047;
	s9 =	sshrl.u32 s8, $0x1;
	s0 =	sadd.s32 s10, s0  }
0x8: {  	vm14 =	vcmask $0x3B38;
	v5 =	vmul.u32 $0xFFFFFFFF, v0;
	v7 =	vunpack.c.0.s8.s32 v6;
	s6 =	sshll.u32 s4, $0x9;
	s30 =	ssub.s32 s8, s9;
	s0 =	sadd.s32 $0x189200, s0  }
0x9: {  	vm0 =	vcmask $0xF00;
	vm15 =	vmmov $0xf;
	v3 =	vadd.s32 $0x4, v3;
	s5 =	smul.u32 $0xC3800, s7;
	s31 =	smax.u32 s30, $0x1;
	[dreg:$0x2] =	wrdreg s0  }
0xa: {  	v5 =	vadd.s32 $0xF, v5;
	s7 =	sshll.u32 s7, $0xC;
	v6 =	vnsel vm0, $0x4, v7;
	v7 =	vnsel vm0, $0x3, v7;
	s10 =	simm.s32 $0x80;
	[dreg:$0x3] =	wrdreg s31  }
.LBB2_1:
0xb: {  	v8 =	vimm.f32 $0.0e+00;
	s18 =	simm.s32 $0x0  }
.LBB2_2:
0xc: {  	s0 =	sshll.u32 s18, $0x7  }
0xd: {  	s0 =	sadd.s32 s6, s0  }
0xe: {  	s4 =	sadd.s32 s5, s0  }
0xf: {  	s4 =	sshrl.u32 s4, $0x3  }
0x10: {  	s8 =	simm.s32 $0x0;
	s4 =	sadd.s32 s2, s4  }
0x11: {  	[tilespmem:s8], [sflag:$0x1] =	stream.strided.gather [hbm4b:s4+s10], $0x18700, s11, s10, $0x38;
	[tilespmem:$0x1EA00] =	vst v63  }
0x12: {  	s0 =	sadd.s32 s7, s0;
	_ =	swait.ge [sflag:s12], $0x18700  }
0x13: {  	s0 =	sshrl.u32 s0, $0x3;
	[sflag:s12] =	ssyncset.done $0x0  }
0x14: {  	s0 =	sadd.s32 s3, s0;
	[sflag:s12] =	ssyncadd.s32 $0xFFFE7900  }
0x15: {  	[tilespmem:s13], [sflag:$0x1] =	stream.strided.gather [hbm4b:s0+s10], $0x200, s11, s10, $0x38;
	[tilespmem:$0x1EA00] =	vst v63  }
0x16: {  	_ =	swait.ge [sflag:s12], $0x200  }
0x17: {  	[sflag:s12] =	ssyncset.done $0x0  }
0x18: {  	s4 =	simm.s32 $0x100;
	s0 =	simm.s32 $0x0;
	[sflag:s12] =	ssyncadd.s32 $0xFFFFFE00  }
.LBB2_3:
0x19: {  	p0 =	sne.s32 s4, $0x3F00;
	[tilespmem:s0+$0x1D5B0] =	vst v1;
	s8 =	smov.u32 s4;
	s4 =	sadd.s32 $0x100, s4  }
.Ltmp0:
0x1a: {  	[tilespmem:s0+$0x1D5A0] =	vst v1;
	(pc) =	sbr.rel @p0 .LBB2_3-.Ltmp0, $3  }
0x1b: {  	[tilespmem:s0+$0x1D580] =	vst v1  }
0x1c: {  	[tilespmem:s0+$0x1D590] =	vst v1;
	_ =	sdelay $0x1  }
0x1d: {  	s0 =	sshra.s32 s8, $0x2  }
0x1e: {  	[tilespmem:s0+$0x1D5B0] =	vst v1  }
0x1f: {  	[tilespmem:s0+$0x1D5A0] =	vst v1  }
0x20: {  	[tilespmem:s0+$0x1D580] =	vst v1  }
0x21: {  	[tilespmem:s0+$0x1D590] =	vst v1  }
0x22: {  	[tilespmem:$0x1E580] =	vst v2  }
0x23: {  	[tilespmem:$0x1E590] =	vst v2  }
0x24: {  	[tilespmem:$0x1E5A0] =	vst v2  }
0x25: {  	[tilespmem:$0x1E5B0] =	vst v2  }
0x26: {  	[tilespmem:$0x1E5C0] =	vst v2  }
0x27: {  	[tilespmem:$0x1E5D0] =	vst v2  }
0x28: {  	[tilespmem:$0x1E5E0] =	vst v2  }
0x29: {  	[tilespmem:$0x1E5F0] =	vst v2  }
0x2a: {  	[tilespmem:$0x1E600] =	vst v2  }
0x2b: {  	[tilespmem:$0x1E610] =	vst v2  }
0x2c: {  	[tilespmem:$0x1E620] =	vst v2  }
0x2d: {  	[tilespmem:$0x1E630] =	vst v2  }
0x2e: {  	[tilespmem:$0x1E640] =	vst v2  }
0x2f: {  	[tilespmem:$0x1E650] =	vst v2  }
0x30: {  	[tilespmem:$0x1E660] =	vst v2  }
0x31: {  	s0 =	simm.s32 $0x40;
	s20 =	simm.s32 $0x18720;
	[tilespmem:$0x1E670] =	vst v2  }
.LBB2_5:
0x32: {  	s4 =	sadd.s32 $0xFFFFFFC0, s0  }
0x33: {  	v9 =	vmov s4  }
0x34: {  	v9 =	vmul.u32 $0x5, v9;
	_ =	sdelay $0x1  }
0x35: {  	v9 =	vbroadcast v9, $0x0;
	_ =	sdelay $0x1  }
0x36: {  	v9 =	vadd.s32 v3, v9;
	_ =	sdelay $0x3  }
0x37: {  	s19 =	simm.s32 $0x0  }
0x38: {  	v9 =	vld.idx.msk [tilespmem:v9+s19+$0x0], $0xffff;
	_ =	sdelay $0x3  }
0x39: {  	s29 =	sadd.s32 $0xFFFFFFD0, s0  }
0x3a: {  	v11 =	vmov s29;
	v10 =	vshra.s32 v9, $0x1F  }
0x3b: {  	v11 =	vmul.u32 $0x5, v11;
	v10 =	vand.u32 $0x7FFFFFFF, v10  }
0x3c: {  	v9 =	vxor.u32 v9, v10  }
0x3d: {  	v11 =	vbroadcast v11, $0x0;
	v10 =	vshra.s32 v9, $0x14  }
0x3e: {  	v10 =	vadd.s32 $0x800, v10  }
0x3f: {  	v11 =	vadd.s32 v3, v11;
	_ =	sdelay $0x2  }
0x40: {  	[tilespmem:s20+$0xFFFFFFE0] =	vst v9  }
0x41: {  	[tilespmem:v10+s14+$0x0] =	vst.idx.add.s32.msk $0xffff, v4  }
0x42: {  	v9 =	vld.idx.msk [tilespmem:v11+s19+$0x0], $0xffff;
	_ =	sdelay $0x3  }
0x43: {  	s30 =	sadd.s32 $0xFFFFFFE0, s0  }
0x44: {  	v11 =	vmov s30;
	v10 =	vshra.s32 v9, $0x1F  }
0x45: {  	v11 =	vmul.u32 $0x5, v11;
	v10 =	vand.u32 $0x7FFFFFFF, v10  }
0x46: {  	v9 =	vxor.u32 v9, v10  }
0x47: {  	v11 =	vbroadcast v11, $0x0;
	v10 =	vshra.s32 v9, $0x14  }
0x48: {  	v10 =	vadd.s32 $0x800, v10  }
0x49: {  	v11 =	vadd.s32 v3, v11;
	_ =	sdelay $0x2  }
0x4a: {  	[tilespmem:s20+$0xFFFFFFF0] =	vst v9  }
0x4b: {  	[tilespmem:v10+s14+$0x0] =	vst.idx.add.s32.msk $0xffff, v4  }
0x4c: {  	v9 =	vld.idx.msk [tilespmem:v11+s19+$0x0], $0xffff;
	_ =	sdelay $0x3  }
0x4d: {  	s31 =	sadd.s32 $0xFFFFFFF0, s0  }
0x4e: {  	v11 =	vmov s31;
	v10 =	vshra.s32 v9, $0x1F  }
0x4f: {  	v11 =	vmul.u32 $0x5, v11;
	v10 =	vand.u32 $0x7FFFFFFF, v10  }
0x50: {  	v9 =	vxor.u32 v9, v10  }
0x51: {  	v11 =	vbroadcast v11, $0x0;
	v10 =	vshra.s32 v9, $0x14  }
0x52: {  	v10 =	vadd.s32 $0x800, v10  }
0x53: {  	v11 =	vadd.s32 v3, v11;
	_ =	sdelay $0x2  }
0x54: {  	[tilespmem:s20+$0x0] =	vst v9  }
0x55: {  	[tilespmem:v10+s14+$0x0] =	vst.idx.add.s32.msk $0xffff, v4  }
0x56: {  	v9 =	vld.idx.msk [tilespmem:v11+s19+$0x0], $0xffff;
	_ =	sdelay $0x4  }
0x57: {  	v11 =	vmov s0;
	v10 =	vshra.s32 v9, $0x1F  }
0x58: {  	v11 =	vmul.u32 $0x5, v11;
	v10 =	vand.u32 $0x7FFFFFFF, v10  }
0x59: {  	v9 =	vxor.u32 v9, v10  }
0x5a: {  	v11 =	vbroadcast v11, $0x0;
	v10 =	vshra.s32 v9, $0x14  }
0x5b: {  	v10 =	vadd.s32 $0x800, v10  }
0x5c: {  	v11 =	vadd.s32 v3, v11;
	_ =	sdelay $0x2  }
0x5d: {  	[tilespmem:s20+$0x10] =	vst v9  }
0x5e: {  	[tilespmem:v10+s14+$0x0] =	vst.idx.add.s32.msk $0xffff, v4  }
0x5f: {  	v9 =	vld.idx.msk [tilespmem:v11+s19+$0x0], $0xffff;
	_ =	sdelay $0x4  }
0x60: {  	v10 =	vshra.s32 v9, $0x1F  }
0x61: {  	v10 =	vand.u32 $0x7FFFFFFF, v10  }
0x62: {  	v9 =	vxor.u32 v9, v10  }
0x63: {  	v10 =	vshra.s32 v9, $0x14  }
0x64: {  	p0 =	sne.s32 s0, $0x4E10;
	v10 =	vadd.s32 $0x800, v10  }
.Ltmp1:
0x65: {  	_ = 	snop;
	(pc) =	sbr.rel @p0 .LBB2_5-.Ltmp1, $3  }
0x66: {  	_ =	sdelay $0x1  }
0x67: {  	[tilespmem:s20+$0x20] =	vst v9  }
0x68: {  	s0 =	sadd.s32 $0x50, s0;
	s20 =	sadd.s32 $0x50, s20;
	[tilespmem:v10+s14+$0x0] =	vst.idx.add.s32.msk $0xffff, v4  }
0x69: {  	s0 =	simm.s32 $0x1E570  }
0x6a: {  	v9 =	vld [tilespmem:s0+$0x0]  }
0x6b: {  	v10 =	vld [tilespmem:s0+$0xFFFFFFF0];
	_ =	sdelay $0x1  }
0x6c: {  	v11 =	vld [tilespmem:s0+$0xFFFFFFE0]  }
0x6d: {  	v12 =	vld [tilespmem:s0+$0xFFFFFFD0]  }
0x6e: {  	(xrf0) =	vadd.scan.msk.s32 $0xffff, v9  }
0x6f: {  	(xrf0) =	vadd.scan.msk.s32 $0xffff, v10;
	_ =	sdelay $0x1  }
0x70: {  	(xrf0) =	vadd.scan.msk.s32 $0xffff, v11  }
0x71: {  	(xrf0) =	vadd.scan.msk.s32 $0xffff, v12;
	_ =	sdelay $0x1  }
0x72: {  	v9, _, _ =	vpop (xrf0)  }
0x73: {  	(v2sf) =	vpush v9, $0xF;
	v9, _, _ =	vpop (xrf0)  }
0x74: {  	(v2sf) =	vpush v9, $0xF  }
0x75: {  	v9, _, _ =	vpop (xrf0)  }
0x76: {  	s23 =	simm.s32 $0x1E530;
	(v2sf) =	vpush v9, $0xF;
	v9, _, _ =	vpop (xrf0)  }
0x77: {  	(v2sf) =	vpush v9, $0xF;
	v9 =	vld [tilespmem:s23+$0x0];
	_ =	sdelay $0x1  }
0x78: {  	v10 =	vld [tilespmem:s23+$0xFFFFFFF0]  }
0x79: {  	v11 =	vld [tilespmem:s23+$0xFFFFFFE0]  }
0x7a: {  	v62 =	vld [tilespmem:s23+$0xFFFFFFD0]  }
0x7b: {  	(xrf0) =	vadd.scan.msk.s32 $0xffff, v9;
	_ =	sdelay $0x1  }
0x7c: {  	(xrf0) =	vadd.scan.msk.s32 $0xffff, v10  }
0x7d: {  	p0 =	por $0x0, $0x0;
	(xrf0) =	vadd.scan.msk.s32 $0xffff, v11  }
0x7e: {  	s21 =	simm.s32 $0xF80;
	s20 =	simm.s32 $0xF40;
	s31 =	simm.s32 $0xF00;
	(xrf0) =	vadd.scan.msk.s32 $0xffff, v62  }
0x7f: {  	s28 =	simm.s32 $0xFD0;
	s30 =	simm.s32 $0xFE0;
	s22 =	simm.s32 $0x0  }
0x80: {  	s0 =	simm.s32 $0x1E4F0;
	p2 =	por !p0, !p0;
	v9, _, _ =	vpop (xrf0);
	s4 =	spop (v2sf)  }
0x81: {  	s23 =	simm.s32 $0xFC0;
	(v2sf) =	vpush v9, $0xF;
	s25 =	sadd.s32 $0x0, s4;
	s24 =	spop (v2sf)  }
0x82: {  	v9, _, _ =	vpop (xrf0);
	s4 =	simm.s32 $0xFF0;
	p4 =	sgt.s32 s25, $0x63;
	s24 =	sadd.s32 s24, s25  }
0x83: {  	v63 =	vld [tilespmem:s0+$0x0];
	(v2sf) =	vpush v9, $0xF;
	v10, _, _ =	vpop (xrf0);
	s26 =	spop (v2sf);
	p0 =	por p0, p4;
	p3 =	sgt.s32 s24, $0x63  }
0x84: {  	(v2sf) =	vpush v10, $0xF;
	v11, _, _ =	vpop (xrf0);
	s8 =	spop (v2sf);
	s29 =	sadd.s32 s26, s24;
	p2 =	por !p4, !p2  }
0x85: {  	v9 =	vld [tilespmem:s0+$0xFFFFFFF0];
	(v2sf) =	vpush v11, $0xF;
	p5 =	por !p0, !p0;
	p1 =	por p0, p3;
	s26 =	sadd.s32 s8, s29  }
0x86: {  	v10 =	vld [tilespmem:s0+$0xFFFFFFE0];
	p4 =	por !p2, !p2;
	p6 =	por !p3, !p5;
	p3 =	por !p1, !p1  }
0x87: {  	v11 =	vld [tilespmem:s0+$0xFFFFFFD0];
	p5 =	sgt.s32 s29, $0x63;
	p2 =	sgt.s32 s26, $0x63;
	s22 =	smov.u32 @p4 s4  }
0x88: {  	(xrf0) =	vadd.scan.msk.s32 $0xffff, v63;
	s19 =	smov.u32 @p4 s19;
	p0 =	por !p6, !p6;
	p4 =	por p1, p5  }
.LBB2_7:
0x89: {  	s22 =	smov.u32 @p0 s30;
	s19 =	smov.u32 @p0 s25;
	p0 =	por !p5, !p3  }
0x8a: {  	(xrf0) =	vadd.scan.msk.s32 $0xffff, v9;
	s8 =	smov.u32 s20;
	s20 =	smov.u32 s31;
	s4 =	smov.u32 s26  }
0x8b: {  	p1 =	sne.s32 s31, $0x0;
	p3 =	por !p4, !p4;
	(xrf0) =	vadd.scan.msk.s32 $0xffff, v10;
	p0 =	por !p0, !p0  }
0x8c: {  	(xrf0) =	vadd.scan.msk.s32 $0xffff, v11;
	s22 =	smov.u32 @p0 s28;
	s19 =	smov.u32 @p0 s24;
	p0 =	por !p2, !p3  }
0x8d: {  	s31 =	sadd.s32 $0xFFFFFFC0, s31;
	p0 =	por !p0, !p0  }
0x8e: {  	p2 =	por p4, p2;
	s22 =	smov.u32 @p0 s23;
	s19 =	smov.u32 @p0 s29  }
0x8f: {  	s28 =	sadd.s32 $0x10, s21;
	s23 =	smov.u32 s21;
	s21 =	smov.u32 s8;
	v9, _, _ =	vpop (xrf0)  }
0x90: {  	s8 =	spop (v2sf)  }
0x91: {  	s0 =	sadd.s32 $0xFFFFFFC0, s0;
	s30 =	sadd.s32 $0x20, s23;
	(v2sf) =	vpush v9, $0xF;
	v9, _, _ =	vpop (xrf0);
	s25 =	sadd.s32 s26, s8  }
0x92: {  	p0 =	por !p2, !p2;
	(v2sf) =	vpush v9, $0xF;
	v9, _, _ =	vpop (xrf0);
	s8 =	spop (v2sf);
	p4 =	sgt.s32 s25, $0x63  }
0x93: {  	(v2sf) =	vpush v9, $0xF;
	v9, _, _ =	vpop (xrf0);
	s24 =	sadd.s32 s8, s25;
	s8 =	spop (v2sf);
	p2 =	por p2, p4  }
0x94: {  	v12 =	vld [tilespmem:s0+$0x0];
	(v2sf) =	vpush v9, $0xF;
	p3 =	sgt.s32 s24, $0x63;
	s16 =	spop (v2sf);
	s29 =	sadd.s32 s8, s24  }
.Ltmp2:
0x95: {  	v9 =	vld [tilespmem:s0+$0xFFFFFFF0];
	p5 =	por !p2, !p2;
	p6 =	por p2, p3;
	(pc) =	sbr.rel @p1 .LBB2_7-.Ltmp2, $4  }
0x96: {  	s26 =	sadd.s32 s16, s29;
	v10 =	vld [tilespmem:s0+$0xFFFFFFE0];
	p2 =	por !p3, !p5;
	p3 =	por !p6, !p6  }
0x97: {  	s8 =	sadd.s32 $0x30, s23;
	p4 =	por !p4, !p0;
	v11 =	vld [tilespmem:s0+$0xFFFFFFD0];
	p0 =	por !p2, !p2  }
0x98: {  	p4 =	por !p4, !p4;
	p5 =	sgt.s32 s29, $0x63;
	p2 =	sgt.s32 s26, $0x63  }
0x99: {  	s22 =	smov.u32 @p4 s8;
	s19 =	smov.u32 @p4 s4;
	p4 =	por p6, p5;
	(xrf0) =	vadd.scan.msk.s32 $0xffff, v12  }
0x9a: {  	(xrf0) =	vadd.scan.msk.s32 $0xffff, v9;
	_ =	sdelay $0x4  }
0x9b: {  	v9, _, _ =	vpop (xrf0)  }
0x9c: {  	p1 =	por !p5, !p3;
	(v2sf) =	vpush v9, $0xF;
	v9, _, _ =	vpop (xrf0)  }
0x9d: {  	s4 =	simm.s32 @!p1 $0x0;
	(v2sf) =	vpush v9, $0xF  }
0x9e: {  	p6 =	por p4, p2;
	s4 =	simm.s32 @p1 $0x1;
	s0 =	spop (v2sf)  }
0x9f: {  	p1 =	por !p4, !p4;
	[smem:$0x7F1] =	sst s4;
	s0 =	sadd.s32 s26, s0  }
0xa0: {  	p1 =	por !p2, !p1;
	s9 =	spop (v2sf);
	p5 =	sgt.s32 s0, $0x63  }
0xa1: {  	s4 =	simm.s32 @!p1 $0x0;
	s31 =	sadd.s32 s9, s0;
	p4 =	por p6, p5  }
0xa2: {  	s4 =	simm.s32 @p1 $0x1;
	p1 =	sgt.s32 s31, $0x63;
	p3 =	por !p4, !p4  }
0xa3: {  	p4 =	por p4, p1;
	p1 =	por !p1, !p3  }
0xa4: {  	(xrf0) =	vadd.scan.msk.s32 $0xffff, v10;
	[smem:$0x7F2] =	sst s4;
	s4 =	simm.s32 @!p1 $0x0  }
0xa5: {  	(xrf0) =	vadd.scan.msk.s32 $0xffff, v11;
	s16 =	spop (v2sf);
	s4 =	simm.s32 @p1 $0x1  }
0xa6: {  	[smem:$0x7F3] =	sst s4;
	s4 =	sadd.s32 s16, s31  }
0xa7: {  	s8 =	spop (v2sf);
	p3 =	por !p4, !p4;
	p2 =	sgt.s32 s4, $0x63  }
0xa8: {  	s16 =	sadd.s32 s8, s4;
	p1 =	por !p2, !p3  }
0xa9: {  	p4 =	por p4, p2;
	p2 =	sgt.s32 s16, $0x63;
	s9 =	simm.s32 @!p1 $0x0  }
0xaa: {  	v9, _, _ =	vpop (xrf0);
	p3 =	por p4, p2;
	p4 =	por !p4, !p4;
	s9 =	simm.s32 @p1 $0x1  }
0xab: {  	(v2sf) =	vpush v9, $0xF;
	v9, _, _ =	vpop (xrf0);
	p2 =	por !p2, !p4;
	[smem:$0x7F5] =	sst s9;
	s8 =	spop (v2sf)  }
0xac: {  	(v2sf) =	vpush v9, $0xF;
	s9 =	spop (v2sf);
	[smem:$0x7F4] =	sst s0;
	s0 =	simm.s32 @!p2 $0x0  }
0xad: {  	p6 =	por !p6, !p6;
	s8 =	sadd.s32 s16, s8;
	s0 =	simm.s32 @p2 $0x1  }
0xae: {  	p6 =	por !p5, !p6;
	p5 =	sgt.s32 s8, $0x63;
	[smem:$0x7F6] =	sst s0  }
0xaf: {  	s9 =	sadd.s32 s9, s8;
	p1 =	por p3, p5;
	s0 =	sld [smem:$0x7F4]  }
0xb0: {  	p2 =	sgt.s32 s9, $0x63;
	p4 =	por !p1, !p1  }
0xb1: {  	p1 =	por p1, p2;
	p2 =	por !p2, !p4  }
0xb2: {  	[smem:$0x7F4] =	sst s0;
	s0 =	simm.s32 @!p2 $0x0  }
0xb3: {  	s0 =	simm.s32 @p2 $0x1  }
0xb4: {  	[smem:$0x7F8] =	sst s0  }
0xb5: {  	s0 =	sld [smem:$0x7F4]  }
0xb6: {  	s22 =	smov.u32 @p0 s30;
	s30 =	sld [smem:$0x7F1];
	_ =	sdelay $0x2  }
0xb7: {  	p4 =	seq.s32 s30, $0x1  }
0xb8: {  	p4 =	por !p4, !p4  }
0xb9: {  	s30 =	simm.s32 @!p4 $0x0  }
0xba: {  	p3 =	por !p3, !p3;
	s30 =	simm.s32 @p4 $0x1  }
0xbb: {  	p2 =	por !p5, !p3;
	[smem:$0x7FA] =	sst s30  }
0xbc: {  	s30 =	spop (v2sf);
	[smem:$0x7F4] =	sst s0;
	s0 =	simm.s32 @!p2 $0x0  }
0xbd: {  	s0 =	simm.s32 @p2 $0x1  }
0xbe: {  	[smem:$0x7F7] =	sst s0  }
0xbf: {  	s0 =	sld [smem:$0x7F4]  }
0xc0: {  	s22 =	smov.u32 @p4 s28;
	s28 =	sadd.s32 s30, s9;
	s30 =	sld [smem:$0x7F2]  }
0xc1: {  	_ =	sdelay $0x1  }
0xc2: {  	p5 =	seq.s32 s30, $0x1  }
0xc3: {  	p4 =	por !p5, !p5  }
0xc4: {  	p3 =	por !p1, !p1;
	p5 =	sgt.s32 s28, $0x63;
	s30 =	simm.s32 @!p4 $0x0  }
0xc5: {  	p2 =	por !p5, !p3;
	s30 =	simm.s32 @p4 $0x1  }
0xc6: {  	[smem:$0x7FB] =	sst s30;
	s30 =	simm.s32 @!p2 $0x0  }
0xc7: {  	s30 =	simm.s32 @p2 $0x1  }
0xc8: {  	p3 =	por !p6, !p6;
	[smem:$0x7F9] =	sst s30  }
0xc9: {  	[smem:$0x7F4] =	sst s0;
	s0 =	simm.s32 @!p3 $0x0  }
0xca: {  	s0 =	simm.s32 @p3 $0x1  }
0xcb: {  	[smem:$0x7FC] =	sst s0  }
0xcc: {  	s0 =	sld [smem:$0x7F4];
	_ =	sdelay $0x2  }
0xcd: {  	[smem:$0x7F4] =	sst s0  }
0xce: {  	s0 =	sld [smem:$0x7F3];
	_ =	sdelay $0x2  }
0xcf: {  	p6 =	seq.s32 s0, $0x1;
	s0 =	sld [smem:$0x7F4];
	_ =	sdelay $0x1  }
0xd0: {  	p2 =	por !p6, !p6  }
0xd1: {  	[smem:$0x7F4] =	sst s0;
	s0 =	simm.s32 @!p2 $0x0  }
0xd2: {  	s0 =	simm.s32 @p2 $0x1  }
0xd3: {  	[smem:$0x7FD] =	sst s0  }
0xd4: {  	s0 =	sld [smem:$0x7F4];
	_ =	sdelay $0x1  }
0xd5: {  	s22 =	smov.u32 @p4 s23;
	s30 =	sadd.s32 $0x30, s21  }
0xd6: {  	s22 =	smov.u32 @p3 s30;
	s30 =	spop (v2sf);
	[smem:$0x7F4] =	sst s0  }
0xd7: {  	s0 =	sld [smem:$0x7F5];
	_ =	sdelay $0x2  }
0xd8: {  	s30 =	sadd.s32 s30, s28;
	p4 =	seq.s32 s0, $0x1;
	s0 =	sld [smem:$0x7F4]  }
0xd9: {  	p1 =	por p1, p5;
	p5 =	sgt.s32 s30, $0x63;
	s30 =	sld [smem:$0x7F6]  }
0xda: {  	_ =	sdelay $0x1  }
0xdb: {  	p3 =	seq.s32 s30, $0x1;
	s30 =	sld [smem:$0x7F7];
	_ =	sdelay $0x1  }
0xdc: {  	s23 =	sadd.s32 $0x20, s21  }
0xdd: {  	p6 =	por !p4, !p4;
	p4 =	seq.s32 s30, $0x1;
	s30 =	sld [smem:$0x7F8]  }
0xde: {  	p1 =	por !p1, !p1;
	s22 =	smov.u32 @p2 s23;
	s23 =	sadd.s32 $0x10, s21  }
0xdf: {  	p1 =	por !p5, !p1;
	s22 =	smov.u32 @p6 s23  }
0xe0: {  	p5 =	por !p3, !p3;
	p3 =	seq.s32 s30, $0x1;
	s30 =	sld [smem:$0x7F9]  }
0xe1: {  	s22 =	smov.u32 @p5 s21;
	s21 =	sadd.s32 $0x30, s20;
	p4 =	por !p4, !p4  }
0xe2: {  	s19 =	smov.u32 @p0 s25;
	s23 =	sld [smem:$0x7FA];
	s22 =	smov.u32 @p4 s21  }
0xe3: {  	s21 =	sadd.s32 $0x20, s20;
	p3 =	por !p3, !p3;
	p2 =	seq.s32 s30, $0x1  }
0xe4: {  	s22 =	smov.u32 @p3 s21;
	s21 =	sadd.s32 $0x10, s20;
	p2 =	por !p2, !p2  }
0xe5: {  	p1 =	por !p1, !p1;
	s25 =	sld [smem:$0x7FB];
	s22 =	smov.u32 @p2 s21  }
0xe6: {  	s22 =	smov.u32 @p1 s20  }
0xe7: {  	p0 =	seq.s32 s23, $0x1;
	v9 =	vld [tilespmem:s22+$0x1D580]  }
0xe8: {  	s19 =	smov.u32 @p0 s24;
	p0 =	seq.s32 s25, $0x1  }
0xe9: {  	s19 =	smov.u32 @p0 s29;
	s29 =	sld [smem:$0x7FC]  }
0xea: {  	s30 =	sld [smem:$0x7FD];
	_ =	sdelay $0x1  }
0xeb: {  	p0 =	seq.s32 s29, $0x1;
	v9 =	vperm.xlane v9, v5  }
0xec: {  	s19 =	smov.u32 @p0 s26;
	p0 =	seq.s32 s30, $0x1  }
0xed: {  	s19 =	smov.u32 @p0 s0;
	(xrf0) =	vadd.scan.msk.s32 $0xffff, v9  }
0xee: {  	s19 =	smov.u32 @p6 s31  }
0xef: {  	s19 =	smov.u32 @p5 s4  }
0xf0: {  	s19 =	smov.u32 @p4 s16  }
0xf1: {  	s19 =	smov.u32 @p3 s8  }
0xf2: {  	s19 =	smov.u32 @p2 s9  }
0xf3: {  	s19 =	smov.u32 @p1 s28;
	v9, _, _ =	vpop (xrf0)  }
0xf4: {  	v9 =	vadd.s32 s19, v9  }
0xf5: {  	vm0 =	vgt.s32 v9, $0x63  }
0xf6: {  	v9 =	vmctz.xlane vm0;
	_ =	sdelay $0x1  }
0xf7: {  	(v2sf) =	vpush v9, $0x0;
	_ =	sdelay $0xa  }
0xf8: {  	s20 =	simm.s32 $0x18720  }
0xf9: {  	v10 =	vld [tilespmem:s20+$0xFFFFFFE0];
	_ =	sdelay $0x2  }
0xfa: {  	s21 =	spop (v2sf)  }
0xfb: {  	s4 =	ssub.s32 s22, s21  }
0xfc: {  	v11 =	vshra.s32 v10, $0x14;
	s4 =	sadd.s32 $0xF, s4  }
0xfd: {  	v11 =	vadd.s32 $0x800, v11;
	v9 =	vmov s4  }
0xfe: {  	vm0 =	vge.s32 v11, v9  }
0xff: {  	v11 =	vmpcnt.ones.xlane vm0;
	_ =	sdelay $0x1  }
0x100: {  	(v2sf) =	vpush v11, $0x0;
	_ =	sdelay $0x2  }
0x101: {  	p0 =	por $0x1, $0x1;
	s4 =	simm.s32 $0x0  }
0x102: {  	s22 =	simm.s32 $0x0;
	s4 =	simm.s32 @!p0 $0xF0  }
0x103: {  	[tilespmem:s4+$0x1E580] =	vst.msk vm0, v10;
	v10 =	vor.u32 s22, v0  }
0x104: {  	[tilespmem:s4+$0x1E680] =	vst.msk vm0, v10  }
0x105: {  	v10 =	vld [tilespmem:s20+$0xFFFFFFF0];
	_ =	sdelay $0x4  }
0x106: {  	v11 =	vshra.s32 v10, $0x14  }
0x107: {  	v11 =	vadd.s32 $0x800, v11  }
0x108: {  	vm0 =	vge.s32 v11, v9  }
0x109: {  	v11 =	vmpcnt.ones.xlane vm0;
	s23 =	spop (v2sf)  }
0x10a: {  	s4 =	sadd.s32 $0x0, s23  }
0x10b: {  	(v2sf) =	vpush v11, $0x0;
	p0 =	slt.s32 s4, $0xF0;
	s8 =	smov.u32 s4  }
0x10c: {  	s24 =	simm.s32 $0x10;
	s8 =	simm.s32 @!p0 $0xF0  }
0x10d: {  	[tilespmem:s8+$0x1E580] =	vst.msk vm0, v10;
	v10 =	vor.u32 s24, v0  }
0x10e: {  	[tilespmem:s8+$0x1E680] =	vst.msk vm0, v10  }
0x10f: {  	v10 =	vld [tilespmem:s20+$0x0];
	_ =	sdelay $0x4  }
0x110: {  	v11 =	vshra.s32 v10, $0x14  }
0x111: {  	v11 =	vadd.s32 $0x800, v11  }
0x112: {  	vm0 =	vge.s32 v11, v9  }
0x113: {  	v11 =	vmpcnt.ones.xlane vm0;
	_ =	sdelay $0x1  }
0x114: {  	(v2sf) =	vpush v11, $0x0  }
0x115: {  	s25 =	spop (v2sf)  }
0x116: {  	s4 =	sadd.s32 s4, s25  }
0x117: {  	p0 =	slt.s32 s4, $0xF0;
	s8 =	smov.u32 s4  }
0x118: {  	s26 =	simm.s32 $0x20;
	s8 =	simm.s32 @!p0 $0xF0  }
0x119: {  	[tilespmem:s8+$0x1E580] =	vst.msk vm0, v10;
	v10 =	vor.u32 s26, v0  }
0x11a: {  	[tilespmem:s8+$0x1E680] =	vst.msk vm0, v10  }
0x11b: {  	v10 =	vld [tilespmem:s20+$0x10];
	_ =	sdelay $0x4  }
0x11c: {  	v11 =	vshra.s32 v10, $0x14  }
0x11d: {  	v11 =	vadd.s32 $0x800, v11  }
0x11e: {  	vm0 =	vge.s32 v11, v9  }
0x11f: {  	v11 =	vmpcnt.ones.xlane vm0;
	s28 =	spop (v2sf)  }
0x120: {  	s4 =	sadd.s32 s4, s28  }
0x121: {  	(v2sf) =	vpush v11, $0x0;
	p0 =	slt.s32 s4, $0xF0;
	s8 =	smov.u32 s4  }
0x122: {  	s29 =	simm.s32 $0x30;
	s8 =	simm.s32 @!p0 $0xF0  }
0x123: {  	[tilespmem:s8+$0x1E580] =	vst.msk vm0, v10;
	v10 =	vor.u32 s29, v0  }
0x124: {  	[tilespmem:s8+$0x1E680] =	vst.msk vm0, v10  }
0x125: {  	v10 =	vld [tilespmem:s20+$0x20];
	_ =	sdelay $0x4  }
0x126: {  	v11 =	vshra.s32 v10, $0x14  }
0x127: {  	v11 =	vadd.s32 $0x800, v11  }
0x128: {  	vm0 =	vge.s32 v11, v9  }
0x129: {  	v11 =	vmpcnt.ones.xlane vm0;
	_ =	sdelay $0x1  }
0x12a: {  	(v2sf) =	vpush v11, $0x0  }
0x12b: {  	s30 =	spop (v2sf)  }
0x12c: {  	s0 =	sadd.s32 s4, s30  }
0x12d: {  	p0 =	slt.s32 s0, $0xF0;
	s4 =	smov.u32 s0  }
0x12e: {  	s31 =	simm.s32 $0x40;
	s4 =	simm.s32 @!p0 $0xF0  }
0x12f: {  	[tilespmem:s4+$0x1E580] =	vst.msk vm0, v10;
	v10 =	vor.u32 s31, v0  }
0x130: {  	s20 =	simm.s32 $0x18770;
	[tilespmem:s4+$0x1E680] =	vst.msk vm0, v10  }
0x131: {  	v10 =	vld [tilespmem:s20+$0xFFFFFFE0];
	_ =	sdelay $0x4  }
0x132: {  	v11 =	vshra.s32 v10, $0x14  }
0x133: {  	v11 =	vadd.s32 $0x800, v11  }
0x134: {  	vm0 =	vge.s32 v11, v9  }
0x135: {  	s19 =	simm.s32 $0x90;
	s21 =	simm.s32 $0xE0;
	v11 =	vmpcnt.ones.xlane vm0;
	s4 =	spop (v2sf)  }
.LBB2_9:
0x136: {  	p0 =	sne.s32 s21, $0x4E10  }
0x137: {  	(v2sf) =	vpush v11, $0x0;
	s0 =	sadd.s32 s0, s4;
	s22 =	smov.u32 s21;
	s21 =	sadd.s32 $0x50, s21  }
0x138: {  	p1 =	slt.s32 s0, $0xF0;
	s4 =	smov.u32 s0  }
0x139: {  	s4 =	simm.s32 @!p1 $0xF0  }
0x13a: {  	s8 =	sadd.s32 $0xFFFFFFC0, s19  }
0x13b: {  	[tilespmem:s4+$0x1E580] =	vst.msk vm0, v10;
	v10 =	vor.u32 s8, v0  }
0x13c: {  	[tilespmem:s4+$0x1E680] =	vst.msk vm0, v10  }
0x13d: {  	v10 =	vld [tilespmem:s20+$0xFFFFFFF0];
	_ =	sdelay $0x4  }
0x13e: {  	v11 =	vshra.s32 v10, $0x14  }
0x13f: {  	v11 =	vadd.s32 $0x800, v11  }
0x140: {  	vm0 =	vge.s32 v11, v9  }
0x141: {  	v11 =	vmpcnt.ones.xlane vm0  }
0x142: {  	s4 =	spop (v2sf)  }
0x143: {  	s0 =	sadd.s32 s0, s4;
	(v2sf) =	vpush v11, $0x0  }
0x144: {  	p1 =	slt.s32 s0, $0xF0;
	s8 =	smov.u32 s0  }
0x145: {  	s4 =	sadd.s32 $0xFFFFFFD0, s19;
	s8 =	simm.s32 @!p1 $0xF0  }
0x146: {  	[tilespmem:s8+$0x1E580] =	vst.msk vm0, v10;
	v10 =	vor.u32 s4, v0  }
0x147: {  	[tilespmem:s8+$0x1E680] =	vst.msk vm0, v10  }
0x148: {  	v10 =	vld [tilespmem:s20+$0x0];
	_ =	sdelay $0x4  }
0x149: {  	v11 =	vshra.s32 v10, $0x14  }
0x14a: {  	v11 =	vadd.s32 $0x800, v11  }
0x14b: {  	vm0 =	vge.s32 v11, v9  }
0x14c: {  	v11 =	vmpcnt.ones.xlane vm0;
	_ =	sdelay $0x1  }
0x14d: {  	s4 =	spop (v2sf);
	(v2sf) =	vpush v11, $0x0  }
0x14e: {  	s0 =	sadd.s32 s0, s4  }
0x14f: {  	p1 =	slt.s32 s0, $0xF0;
	s8 =	smov.u32 s0  }
0x150: {  	s4 =	sadd.s32 $0xFFFFFFE0, s19;
	s8 =	simm.s32 @!p1 $0xF0  }
0x151: {  	[tilespmem:s8+$0x1E580] =	vst.msk vm0, v10;
	v10 =	vor.u32 s4, v0  }
0x152: {  	[tilespmem:s8+$0x1E680] =	vst.msk vm0, v10  }
0x153: {  	v10 =	vld [tilespmem:s20+$0x10];
	_ =	sdelay $0x4  }
0x154: {  	v11 =	vshra.s32 v10, $0x14  }
0x155: {  	v11 =	vadd.s32 $0x800, v11  }
0x156: {  	vm0 =	vge.s32 v11, v9  }
0x157: {  	v11 =	vmpcnt.ones.xlane vm0  }
0x158: {  	s4 =	spop (v2sf)  }
0x159: {  	s0 =	sadd.s32 s0, s4;
	(v2sf) =	vpush v11, $0x0  }
0x15a: {  	p1 =	slt.s32 s0, $0xF0;
	s8 =	smov.u32 s0  }
0x15b: {  	s4 =	sadd.s32 $0xFFFFFFF0, s19;
	s8 =	simm.s32 @!p1 $0xF0  }
0x15c: {  	[tilespmem:s8+$0x1E580] =	vst.msk vm0, v10;
	v10 =	vor.u32 s4, v0  }
0x15d: {  	[tilespmem:s8+$0x1E680] =	vst.msk vm0, v10  }
0x15e: {  	v10 =	vld [tilespmem:s20+$0x20];
	_ =	sdelay $0x4  }
0x15f: {  	v11 =	vshra.s32 v10, $0x14  }
0x160: {  	v11 =	vadd.s32 $0x800, v11  }
0x161: {  	vm0 =	vge.s32 v11, v9  }
0x162: {  	v11 =	vmpcnt.ones.xlane vm0;
	_ =	sdelay $0x1  }
0x163: {  	s4 =	spop (v2sf);
	(v2sf) =	vpush v11, $0x0  }
0x164: {  	s0 =	sadd.s32 s0, s4  }
0x165: {  	p1 =	slt.s32 s0, $0xF0;
	s4 =	smov.u32 s0  }
0x166: {  	s4 =	simm.s32 @!p1 $0xF0  }
0x167: {  	[tilespmem:s4+$0x1E580] =	vst.msk vm0, v10;
	v10 =	vor.u32 s19, v0;
	s19 =	smov.u32 s22  }
0x168: {  	s20 =	sadd.s32 $0x50, s20;
	[tilespmem:s4+$0x1E680] =	vst.msk vm0, v10  }
0x169: {  	v10 =	vld [tilespmem:s20+$0xFFFFFFE0];
	_ =	sdelay $0x4  }
.Ltmp3:
0x16a: {  	v11 =	vshra.s32 v10, $0x14;
	(pc) =	sbr.rel @p0 .LBB2_9-.Ltmp3, $4  }
0x16b: {  	v11 =	vadd.s32 $0x800, v11  }
0x16c: {  	vm0 =	vge.s32 v11, v9  }
0x16d: {  	v11 =	vmpcnt.ones.xlane vm0  }
0x16e: {  	s4 =	spop (v2sf)  }
0x16f: {  	s0 =	sadd.s32 s0, s4  }
0x170: {  	p0 =	slt.s32 s0, $0xF0;
	s4 =	smov.u32 s0  }
0x171: {  	s8 =	sadd.s32 $0xFFFFFFC0, s19;
	s4 =	simm.s32 @!p0 $0xF0  }
0x172: {  	[tilespmem:s4+$0x1E580] =	vst.msk vm0, v10;
	v10 =	vor.u32 s8, v0  }
0x173: {  	[tilespmem:s4+$0x1E680] =	vst.msk vm0, v10  }
0x174: {  	(v2sf) =	vpush v11, $0x0;
	v10 =	vld [tilespmem:s20+$0xFFFFFFF0];
	_ =	sdelay $0x4  }
0x175: {  	v11 =	vshra.s32 v10, $0x14  }
0x176: {  	v11 =	vadd.s32 $0x800, v11  }
0x177: {  	vm0 =	vge.s32 v11, v9  }
0x178: {  	v11 =	vmpcnt.ones.xlane vm0;
	_ =	sdelay $0x1  }
0x179: {  	(v2sf) =	vpush v11, $0x0;
	_ =	sdelay $0x4  }
0x17a: {  	s24 =	spop (v2sf)  }
0x17b: {  	s0 =	sadd.s32 s0, s24  }
0x17c: {  	p0 =	slt.s32 s0, $0xF0;
	s4 =	smov.u32 s0  }
0x17d: {  	s25 =	sadd.s32 $0xFFFFFFD0, s19;
	s4 =	simm.s32 @!p0 $0xF0  }
0x17e: {  	[tilespmem:s4+$0x1E580] =	vst.msk vm0, v10;
	v10 =	vor.u32 s25, v0  }
0x17f: {  	[tilespmem:s4+$0x1E680] =	vst.msk vm0, v10  }
0x180: {  	v10 =	vld [tilespmem:s20+$0x0];
	_ =	sdelay $0x3  }
0x181: {  	s26 =	spop (v2sf)  }
0x182: {  	v11 =	vshra.s32 v10, $0x14;
	s0 =	sadd.s32 s0, s26  }
0x183: {  	v11 =	vadd.s32 $0x800, v11;
	p0 =	slt.s32 s0, $0xF0;
	s4 =	smov.u32 s0  }
0x184: {  	s28 =	sadd.s32 $0xFFFFFFE0, s19;
	vm0 =	vge.s32 v11, v9;
	s4 =	simm.s32 @!p0 $0xF0  }
0x185: {  	v11 =	vmpcnt.ones.xlane vm0;
	[tilespmem:s4+$0x1E580] =	vst.msk vm0, v10;
	v10 =	vor.u32 s28, v0  }
0x186: {  	[tilespmem:s4+$0x1E680] =	vst.msk vm0, v10  }
0x187: {  	(v2sf) =	vpush v11, $0x0;
	v10 =	vld [tilespmem:s20+$0x10];
	_ =	sdelay $0x4  }
0x188: {  	v11 =	vshra.s32 v10, $0x14  }
0x189: {  	v11 =	vadd.s32 $0x800, v11  }
0x18a: {  	vm0 =	vge.s32 v11, v9  }
0x18b: {  	v11 =	vmpcnt.ones.xlane vm0;
	_ =	sdelay $0x1  }
0x18c: {  	(v2sf) =	vpush v11, $0x0;
	_ =	sdelay $0x4  }
0x18d: {  	s29 =	spop (v2sf)  }
0x18e: {  	s0 =	sadd.s32 s0, s29  }
0x18f: {  	p0 =	slt.s32 s0, $0xF0;
	s4 =	smov.u32 s0  }
0x190: {  	s30 =	sadd.s32 $0xFFFFFFF0, s19;
	s4 =	simm.s32 @!p0 $0xF0  }
0x191: {  	[tilespmem:s4+$0x1E580] =	vst.msk vm0, v10;
	v10 =	vor.u32 s30, v0  }
0x192: {  	[tilespmem:s4+$0x1E680] =	vst.msk vm0, v10  }
0x193: {  	v10 =	vld [tilespmem:s20+$0x20];
	_ =	sdelay $0x3  }
0x194: {  	s31 =	spop (v2sf)  }
0x195: {  	v11 =	vshra.s32 v10, $0x14;
	s0 =	sadd.s32 s0, s31  }
0x196: {  	v11 =	vadd.s32 $0x800, v11;
	p0 =	slt.s32 s0, $0xF0  }
0x197: {  	vm0 =	vge.s32 v11, v9;
	s0 =	simm.s32 @!p0 $0xF0  }
0x198: {  	v9 =	vor.u32 s19, v0;
	[tilespmem:s0+$0x1E580] =	vst.msk vm0, v10  }
0x199: {  	[tilespmem:s0+$0x1E680] =	vst.msk vm0, v9  }
0x19a: {  	v9 =	vld [tilespmem:$0x1E580]  }
0x19b: {  	v10 =	vld [tilespmem:$0x1E590]  }
0x19c: {  	v11 =	vld [tilespmem:$0x1E5A0]  }
0x19d: {  	v12 =	vld [tilespmem:$0x1E5B0]  }
0x19e: {  	v13 =	vld [tilespmem:$0x1E5C0]  }
0x19f: {  	v14 =	vld [tilespmem:$0x1E5D0];
	v9 =	vxor.u32 $0x80000000, v9  }
0x1a0: {  	(xrf0) =	vmax.scan.msk.u32 $0xffff, v9;
	v9 =	vxor.u32 $0x80000000, v10;
	v10 =	vld [tilespmem:$0x1E5E0]  }
0x1a1: {  	(xrf0) =	vmax.scan.msk.u32 $0xffff, v9;
	v9 =	vxor.u32 $0x80000000, v11;
	v11 =	vld [tilespmem:$0x1E5F0]  }
0x1a2: {  	v46 =	vld [tilespmem:$0x1E600];
	(xrf0) =	vmax.scan.msk.u32 $0xffff, v9;
	v9 =	vxor.u32 $0x80000000, v12  }
0x1a3: {  	v47 =	vld [tilespmem:$0x1E610];
	(xrf0) =	vmax.scan.msk.u32 $0xffff, v9;
	v9 =	vxor.u32 $0x80000000, v13  }
0x1a4: {  	v15 =	vmpcnt.ones.xlane vm0;
	v48 =	vld [tilespmem:$0x1E620];
	(xrf0) =	vmax.scan.msk.u32 $0xffff, v9;
	v9 =	vxor.u32 $0x80000000, v14  }
0x1a5: {  	(xrf0) =	vmax.scan.msk.u32 $0xffff, v9;
	v9 =	vxor.u32 $0x80000000, v10;
	v10 =	vld [tilespmem:$0x1E630]  }
0x1a6: {  	(v2sf) =	vpush v15, $0x0;
	v49, _, _ =	vpop (xrf0);
	(xrf0) =	vmax.scan.msk.u32 $0xffff, v9;
	v9 =	vxor.u32 $0x80000000, v11;
	v11 =	vld [tilespmem:$0x1E640]  }
0x1a7: {  	v51 =	vld [tilespmem:$0x1E650];
	(v2sf) =	vpush v49, $0xF;
	v50, _, _ =	vpop (xrf0);
	(xrf0) =	vmax.scan.msk.u32 $0xffff, v9;
	v9 =	vxor.u32 $0x80000000, v46  }
0x1a8: {  	v53 =	vld [tilespmem:$0x1E660];
	(v2sf) =	vpush v50, $0xF;
	v52, _, _ =	vpop (xrf0);
	(xrf0) =	vmax.scan.msk.u32 $0xffff, v9;
	v9 =	vxor.u32 $0x80000000, v47  }
0x1a9: {  	v55 =	vld [tilespmem:$0x1E670];
	(v2sf) =	vpush v52, $0xF;
	v54, _, _ =	vpop (xrf0);
	(xrf0) =	vmax.scan.msk.u32 $0xffff, v9;
	v9 =	vxor.u32 $0x80000000, v48  }
0x1aa: {  	(v2sf) =	vpush v54, $0xF;
	v56, _, _ =	vpop (xrf0);
	(xrf0) =	vmax.scan.msk.u32 $0xffff, v9;
	v9 =	vxor.u32 $0x80000000, v10  }
0x1ab: {  	(v2sf) =	vpush v56, $0xF;
	v10, _, _ =	vpop (xrf0);
	(xrf0) =	vmax.scan.msk.u32 $0xffff, v9;
	v9 =	vxor.u32 $0x80000000, v11  }
0x1ac: {  	(v2sf) =	vpush v10, $0xF;
	v10, _, _ =	vpop (xrf0);
	(xrf0) =	vmax.scan.msk.u32 $0xffff, v9;
	v9 =	vxor.u32 $0x80000000, v51  }
0x1ad: {  	(v2sf) =	vpush v10, $0xF;
	v10, _, _ =	vpop (xrf0);
	(xrf0) =	vmax.scan.msk.u32 $0xffff, v9;
	v9 =	vxor.u32 $0x80000000, v53  }
0x1ae: {  	(v2sf) =	vpush v10, $0xF;
	v10, _, _ =	vpop (xrf0);
	(xrf0) =	vmax.scan.msk.u32 $0xffff, v9;
	v9 =	vxor.u32 $0x80000000, v55;
	_ =	sdelay $0x1  }
0x1af: {  	(v2sf) =	vpush v10, $0xF;
	v10, _, _ =	vpop (xrf0);
	(xrf0) =	vmax.scan.msk.u32 $0xffff, v9  }
0x1b0: {  	(v2sf) =	vpush v10, $0xF;
	v9, _, _ =	vpop (xrf0)  }
0x1b1: {  	v10, _, _ =	vpop (xrf0);
	(v2sf) =	vpush v9, $0xF  }
0x1b2: {  	v9, _, _ =	vpop (xrf0);
	(v2sf) =	vpush v10, $0xF  }
0x1b3: {  	v10, _, _ =	vpop (xrf0);
	(v2sf) =	vpush v9, $0xF  }
0x1b4: {  	v9, _, _ =	vpop (xrf0);
	(v2sf) =	vpush v10, $0xF  }
0x1b5: {  	s4 =	spop (v2sf);
	(v2sf) =	vpush v9, $0xF;
	v9, _, _ =	vpop (xrf0)  }
0x1b6: {  	s0 =	spop (v2sf);
	(v2sf) =	vpush v9, $0xF  }
0x1b7: {  	s8 =	spop (v2sf)  }
0x1b8: {  	s19 =	spop (v2sf)  }
0x1b9: {  	s9 =	spop (v2sf)  }
0x1ba: {  	s16 =	spop (v2sf)  }
0x1bb: {  	s20 =	spop (v2sf)  }
0x1bc: {  	s31 =	spop (v2sf)  }
0x1bd: {  	s21 =	spop (v2sf)  }
0x1be: {  	s22 =	spop (v2sf)  }
0x1bf: {  	s23 =	spop (v2sf)  }
0x1c0: {  	s24 =	spop (v2sf)  }
0x1c1: {  	s25 =	spop (v2sf)  }
0x1c2: {  	s26 =	spop (v2sf)  }
0x1c3: {  	s28 =	spop (v2sf)  }
0x1c4: {  	s29 =	spop (v2sf)  }
0x1c5: {  	s30 =	spop (v2sf)  }
0x1c6: {  	s30 =	sxor.u32 $0x80000000, s30  }
0x1c7: {  	vm0 =	vcmask $0x300;
	s0 =	sxor.u32 $0x80000000, s0;
	v9 =	vmov s30  }
0x1c8: {  	s4 =	sxor.u32 $0x80000000, s8;
	v9 =	vsel vm0, s0, v9  }
0x1c9: {  	s8 =	sxor.u32 $0x80000000, s19;
	v9 =	vsel vm1, s4, v9  }
0x1ca: {  	s9 =	sxor.u32 $0x80000000, s9;
	v9 =	vsel vm2, s8, v9  }
0x1cb: {  	s16 =	sxor.u32 $0x80000000, s16;
	v9 =	vsel vm3, s9, v9  }
0x1cc: {  	s30 =	sxor.u32 $0x80000000, s20;
	v9 =	vsel vm4, s16, v9  }
0x1cd: {  	s31 =	sxor.u32 $0x80000000, s31;
	v9 =	vsel vm5, s30, v9  }
0x1ce: {  	s8 =	sxor.u32 $0x80000000, s21;
	v9 =	vsel vm6, s31, v9  }
0x1cf: {  	s9 =	sxor.u32 $0x80000000, s22;
	v9 =	vsel vm7, s8, v9  }
0x1d0: {  	s16 =	sxor.u32 $0x80000000, s23;
	v9 =	vsel vm8, s9, v9  }
0x1d1: {  	s19 =	sxor.u32 $0x80000000, s24;
	v9 =	vsel vm9, s16, v9  }
0x1d2: {  	s20 =	sxor.u32 $0x80000000, s25;
	v9 =	vsel vm10, s19, v9  }
0x1d3: {  	s21 =	sxor.u32 $0x80000000, s26;
	v9 =	vsel vm11, s20, v9  }
0x1d4: {  	s22 =	sxor.u32 $0x80000000, s28;
	v9 =	vsel vm12, s21, v9  }
0x1d5: {  	s23 =	sxor.u32 $0x80000000, s29;
	v9 =	vsel vm13, s22, v9  }
0x1d6: {  	v9 =	vsel vm14, s23, v9  }
0x1d7: {  	v10 =	vxor.u32 $0x80000000, v9  }
0x1d8: {  	(xrf0) =	vmax.scan.msk.u32 $0xffff, v10;
	_ =	sdelay $0x5  }
0x1d9: {  	v10, _, _ =	vpop (xrf0)  }
0x1da: {  	(v2sf) =	vpush v10, $0xF;
	_ =	sdelay $0xe  }
0x1db: {  	s24 =	spop (v2sf)  }
0x1dc: {  	s0 =	sxor.u32 $0x80000000, s24  }
0x1dd: {  	vm0 =	veq.s32 v9, s0  }
0x1de: {  	v10 =	vmctz.xlane vm0;
	_ =	sdelay $0x1  }
0x1df: {  	(v2sf) =	vpush v10, $0x0;
	_ =	sdelay $0xe  }
0x1e0: {  	s25 =	spop (v2sf)  }
0x1e1: {  	s26 =	sshll.u32 s25, $0x4  }
0x1e2: {  	v11 =	vld [tilespmem:s26+$0x1E580];
	_ =	sdelay $0x4  }
0x1e3: {  	vm0 =	veq.s32 v11, s0  }
0x1e4: {  	v57 =	vmctz.xlane vm0;
	_ =	sdelay $0x1  }
0x1e5: {  	(v2sf) =	vpush v57, $0x0;
	_ =	sdelay $0x8  }
0x1e6: {  	v12 =	vbroadcast v57, $0x0;
	_ =	sdelay $0x1  }
0x1e7: {  	vm0 =	veq.s32 v12, v0  }
0x1e8: {  	v11 =	vsel vm0, $0x80000000, v11  }
0x1e9: {  	v58 =	vxor.u32 $0x80000000, v11  }
0x1ea: {  	(xrf0) =	vmax.scan.msk.u32 $0xffff, v58  }
0x1eb: {  	s28 =	spop (v2sf)  }
0x1ec: {  	s0 =	sadd.s32 s26, s28  }
0x1ed: {  	v59 =	vmov s0;
	_ =	sdelay $0x2  }
0x1ee: {  	v60, _, _ =	vpop (xrf0)  }
0x1ef: {  	(v2sf) =	vpush v60, $0xF  }
0x1f0: {  	v12 =	vld.idx.msk [tilespmem:v59+s15+$0x0], $0xffff;
	_ =	sdelay $0x4  }
0x1f1: {  	s29 =	simm.s32 $0x0;
	v12 =	vmul.u32 $0x5, v12  }
0x1f2: {  	v61 =	vor.u32 s29, v7  }
0x1f3: {  	v12 =	vadd.s32 v6, v12;
	_ =	sdelay $0x3  }
0x1f4: {  	v13 =	vld.idx.msk [tilespmem:v61+s13+$0x0], $0xffff  }
0x1f5: {  	v12 =	vld.idx.msk [tilespmem:v12+s1+$0x0], $0xffff  }
0x1f6: {  	v10 =	vbroadcast v10, $0x0  }
0x1f7: {  	s30 =	spop (v2sf)  }
0x1f8: {  	vm0 =	veq.s32 v10, v0;
	s0 =	sxor.u32 $0x80000000, s30  }
0x1f9: {  	v9 =	vsel vm0, s0, v9  }
0x1fa: {  	v62 =	vxor.u32 $0x80000000, v9;
	v12 =	vsub.f32 v12, v13  }
0x1fb: {  	(xrf0) =	vmax.scan.msk.u32 $0xffff, v62  }
0x1fc: {  	v10 =	vmul.f32 v12, v12;
	_ =	sdelay $0x1  }
0x1fd: {  	v10 =	vnsel vm15, $0x0, v10;
	_ =	sdelay $0x2  }
0x1fe: {  	(xrf2) =	vadd.scan.msk.f32 $0xffff, v10;
	v10, _, _ =	vpop (xrf0)  }
0x1ff: {  	(v2sf) =	vpush v10, $0xF;
	_ =	sdelay $0xe  }
0x200: {  	s31 =	spop (v2sf)  }
0x201: {  	s4 =	sxor.u32 $0x80000000, s31  }
0x202: {  	vm0 =	veq.s32 v9, s4  }
0x203: {  	v10, _, _ =	vpop (xrf2);
	v63 =	vmctz.xlane vm0  }
0x204: {  	(v2sf) =	vpush v10, $0xF  }
0x205: {  	(v2sf) =	vpush v63, $0x0;
	_ =	sdelay $0xc  }
0x206: {  	s19 =	simm.f32 $0.0e+00  }
0x207: {  	s20 =	simm.s32 $0x4;
	s21 =	simm.s32 $0x8;
	[tilespmem:s26+$0x1E580] =	vst v11;
	v10 =	vbroadcast v63, $0x0;
	s0 =	spop (v2sf)  }
.LBB2_11:
0x208: {  	p0 =	sne.s32 s21, $0x18C;
	s8 =	spop (v2sf);
	s19 =	sadd.f32 s0, s19  }
0x209: {  	s0 =	sshll.u32 s8, $0x4;
	s8 =	smov.u32 s21;
	s21 =	sadd.s32 $0x4, s21  }
0x20a: {  	v11 =	vld [tilespmem:s0+$0x1E580];
	_ =	sdelay $0x4  }
0x20b: {  	vm0 =	veq.s32 v11, s4  }
0x20c: {  	v12 =	vmctz.xlane vm0;
	_ =	sdelay $0x1  }
0x20d: {  	v13 =	vbroadcast v12, $0x0;
	(v2sf) =	vpush v12, $0x0;
	_ =	sdelay $0x1  }
0x20e: {  	vm0 =	veq.s32 v13, v0  }
0x20f: {  	v11 =	vsel vm0, $0x80000000, v11  }
0x210: {  	v12 =	vxor.u32 $0x80000000, v11  }
0x211: {  	(xrf0) =	vmax.scan.msk.u32 $0xffff, v12;
	_ =	sdelay $0x5  }
0x212: {  	v12, _, _ =	vpop (xrf0)  }
0x213: {  	(v2sf) =	vpush v12, $0xF;
	_ =	sdelay $0x2  }
0x214: {  	s4 =	spop (v2sf)  }
0x215: {  	s4 =	sadd.s32 s0, s4  }
0x216: {  	v12 =	vmov s4;
	_ =	sdelay $0x4  }
0x217: {  	v12 =	vld.idx.msk [tilespmem:v12+s15+$0x0], $0xffff;
	_ =	sdelay $0x4  }
0x218: {  	s4 =	spop (v2sf)  }
0x219: {  	vm0 =	veq.s32 v10, v0;
	v12 =	vmul.u32 $0x5, v12;
	s4 =	sxor.u32 $0x80000000, s4  }
0x21a: {  	v10 =	vor.u32 s20, v7;
	s20 =	smov.u32 s8;
	v9 =	vsel vm0, s4, v9  }
0x21b: {  	v12 =	vadd.s32 v6, v12;
	v13 =	vxor.u32 $0x80000000, v9  }
0x21c: {  	(xrf0) =	vmax.scan.msk.u32 $0xffff, v13;
	_ =	sdelay $0x2  }
0x21d: {  	v10 =	vld.idx.msk [tilespmem:v10+s13+$0x0], $0xffff  }
0x21e: {  	v12 =	vld.idx.msk [tilespmem:v12+s1+$0x0], $0xffff  }
0x21f: {  	[tilespmem:s0+$0x1E580] =	vst v11  }
0x220: {  	v11, _, _ =	vpop (xrf0)  }
0x221: {  	(v2sf) =	vpush v11, $0xF;
	_ =	sdelay $0x2  }
0x222: {  	v10 =	vsub.f32 v12, v10;
	_ =	sdelay $0x1  }
0x223: {  	v10 =	vmul.f32 v10, v10;
	_ =	sdelay $0x1  }
0x224: {  	v10 =	vnsel vm15, $0x0, v10  }
0x225: {  	(xrf2) =	vadd.scan.msk.f32 $0xffff, v10;
	_ =	sdelay $0x6  }
0x226: {  	s0 =	spop (v2sf)  }
0x227: {  	s4 =	sxor.u32 $0x80000000, s0  }
0x228: {  	vm0 =	veq.s32 v9, s4  }
0x229: {  	v11 =	vmctz.xlane vm0;
	v10, _, _ =	vpop (xrf2)  }
0x22a: {  	(v2sf) =	vpush v10, $0xF  }
0x22b: {  	v10 =	vbroadcast v11, $0x0;
	(v2sf) =	vpush v11, $0x0;
	_ =	sdelay $0x9  }
.Ltmp4:
0x22c: {  	(pc) =	sbr.rel @p0 .LBB2_11-.Ltmp4, $2  }
0x22d: {  	_ =	sdelay $0x2  }
0x22e: {  	s0 =	spop (v2sf)  }
0x22f: {  	s8 =	spop (v2sf)  }
0x230: {  	s8 =	sshll.u32 s8, $0x4  }
0x231: {  	v9 =	vld [tilespmem:s8+$0x1E580];
	_ =	sdelay $0x4  }
0x232: {  	vm0 =	veq.s32 v9, s4  }
0x233: {  	v10 =	vmctz.xlane vm0;
	_ =	sdelay $0x1  }
0x234: {  	(v2sf) =	vpush v10, $0x0;
	_ =	sdelay $0xe  }
0x235: {  	s30 =	spop (v2sf)  }
0x236: {  	s4 =	sadd.s32 s8, s30  }
0x237: {  	v11 =	vmov s4;
	_ =	sdelay $0x4  }
0x238: {  	v11 =	vld.idx.msk [tilespmem:v11+s15+$0x0], $0xffff;
	_ =	sdelay $0x4  }
0x239: {  	v11 =	vmul.u32 $0x5, v11  }
0x23a: {  	v12 =	vor.u32 s20, v7  }
0x23b: {  	v11 =	vadd.s32 v6, v11;
	_ =	sdelay $0x3  }
0x23c: {  	v12 =	vld.idx.msk [tilespmem:v12+s13+$0x0], $0xffff  }
0x23d: {  	v11 =	vld.idx.msk [tilespmem:v11+s1+$0x0], $0xffff;
	_ =	sdelay $0x4  }
0x23e: {  	v11 =	vsub.f32 v11, v12;
	_ =	sdelay $0x1  }
0x23f: {  	v11 =	vmul.f32 v11, v11  }
0x240: {  	v10 =	vbroadcast v10, $0x0  }
0x241: {  	v11 =	vnsel vm15, $0x0, v11  }
0x242: {  	vm0 =	veq.s32 v10, v0;
	(xrf2) =	vadd.scan.msk.f32 $0xffff, v11  }
0x243: {  	v9 =	vsel vm0, $0x80000000, v9  }
0x244: {  	v10 =	vxor.u32 $0x80000000, v9  }
0x245: {  	(xrf0) =	vmax.scan.msk.u32 $0xffff, v10;
	_ =	sdelay $0x5  }
0x246: {  	v10, _, _ =	vpop (xrf0)  }
0x247: {  	(v2sf) =	vpush v10, $0xF;
	v10, _, _ =	vpop (xrf2)  }
0x248: {  	(v2sf) =	vpush v10, $0xF;
	_ =	sdelay $0xb  }
0x249: {  	v10 =	vmov s18;
	s18 =	sadd.s32 $0x1, s18  }
0x24a: {  	s0 =	sadd.f32 s0, s19;
	p0 =	sne.s32 s18, $0x4  }
.Ltmp5:
0x24b: {  	s31 =	spop (v2sf);
	(pc) =	sbr.rel @p0 .LBB2_2-.Ltmp5, $4  }
0x24c: {  	s4 =	spop (v2sf)  }
0x24d: {  	s0 =	sadd.f32 s4, s0  }
0x24e: {  	vm0 =	veq.s32 v10, v0  }
0x24f: {  	[tilespmem:s8+$0x1E580] =	vst v9;
	v8 =	vsel vm0, s0, v8  }
0x250: {  	[tilespmem:$0x1E980] =	vst v8;
	s0 =	rddreg [dreg:$0x2];
	s4 =	simm.s32 $0x1E980  }
0x251: {  	[hbm4b:s0+s1] =	stream.linear.scatter [tilespmem:s4], [sflag:$0x1], $0x80, $0x38;
	[tilespmem:$0x1EA00] =	vst v63  }
0x252: {  	_ =	swait.ge [sflag:s12], $0x80  }
0x253: {  	s17 =	sadd.s32 $0x1, s17;
	s31 =	rddreg [dreg:$0x3]  }
0x254: {  	p0 =	sne.s32 s17, s31  }
.Ltmp6:
0x255: {  	_ = 	snop;
	(pc) =	sbr.rel @p0 .LBB2_1-.Ltmp6, $3  }
0x256: {  	_ =	sdelay $0x1  }
0x257: {  	[sflag:s12] =	ssyncset.done $0x0  }
0x258: {  	[sflag:s12] =	ssyncadd.s32 $0xFFFFFF80  }
0x259: {  	_ =	sfence.sel $0x180000  }
0x25a: {  	[bflag:$0x0] =	sbarrier.arrive $0xFFFF  }
0x25b: {  	_ =	strace $0x90000047  }
0x25c: {  	s0 =	stileid.u32;
	[bflag:$0x2] =	sbarrier.arrive $0xFFFF  }
0x25d: {  	p0 =	sne.s32 s0, $0x0;
	s0 =	rddreg [dreg:$0x1]  }
0x25e: {  	s0 =	sadd.s32 @!p0 $0x100000, s0  }
0x25f: {  	[sflag:s0] =	ssyncadd.tile.s32 @!p0 $0x1;
	_ =	shalt  }
.Lfunc_end2:
_tile_overlayer_lowered:
.L_overlay_start_2:
0x260: {  	(tag) =	ssettag $0x2  }
0x261: {  	s0 =	rddreg [dreg:$0x0];
	s2 =	stileid.u32  }
0x262: {  	s1 =	rddreg [dreg:$0x1];
	p0 =	sne.s32 s2, $0x0  }
0x263: {  	s3 =	rddreg [dreg:$0x2];
	[bflag:$0x3] =	sbarrier.arrive $0xFFFF;
	s2 =	simm.s32 @!p0 $0x1C01  }
0x264: {  	[timem:s3], [sflag:s2] =	dma.local @!p0 [hbm:s0], s1  }
0x265: {  	s0 =	simm.s32 @!p0 $0x1  }
0x266: {  	_ =	swait.ge @!p0 [sflag:s0], s1  }
0x267: {  	s1 =	ssub.s32 @!p0 $0x0, s1;
	[sflag:s0] =	ssyncset.done @!p0 $0x0  }
0x268: {  	[sflag:s0] =	ssyncadd.s32 @!p0 s1  }
0x269: {  	[bflag:$0x3] =	sbarrier.arrive $0xFFFF  }
0x26a: {  	_ =	shalt  }

</sc_bundles>
